<compile_context>
chip_gen: v7x
topology: tpu7x:2x2x1
jax: 0.10.2.dev20260603
libtpu: 0.0.44.dev20260713+nightly
codegen_flags: <defaults>
</compile_context>

<pallas_src>
import dataclasses
import functools

import jax
import jax.numpy as jnp
from jax import lax
from jax.experimental import pallas as pl
from jax.experimental.pallas import tpu as pltpu
from jax.experimental.pallas import tpu_sc as plsc

B = 16384
H = 128
NC = 2
NS = 16
NW = NC * NS
BPW = B // NW
CH = 128
NCH = BPW // CH
L = 16

P = 100000
PROWS = (P + H - 1) // H
FW = 2 * H

MAX_SLIP = 0.4
MAX_GUESS = 0.4
INV_T = 1.0 / 50.0


def _sc_gather(theta_table, fused_table, student_id, problem_id):
    mesh = plsc.VectorSubcoreMesh(core_axis_name="c", subcore_axis_name="s")
    cp = pltpu.CompilerParams()
    if "needs_layout_passes" in pltpu.CompilerParams.__dataclass_fields__:
        cp = dataclasses.replace(cp, needs_layout_passes=False)

    @functools.partial(
        pl.kernel,
        mesh=mesh,
        compiler_params=cp,
        out_type=[
            jax.ShapeDtypeStruct((B, H), jnp.float32),
            jax.ShapeDtypeStruct((B,), jnp.float32),
            jax.ShapeDtypeStruct((B,), jnp.float32),
        ],
        scratch_types=[
            pltpu.VMEM((BPW,), jnp.int32),
            pltpu.VMEM((BPW,), jnp.int32),
            pltpu.VMEM((BPW,), jnp.int32),
            pltpu.VMEM((CH, H), jnp.float32),
            pltpu.VMEM((CH, H), jnp.float32),
            pltpu.VMEM((CH, H), jnp.int32),
            pltpu.VMEM((CH, H), jnp.int32),
            pltpu.VMEM((BPW,), jnp.float32),
            pltpu.VMEM((BPW,), jnp.float32),
            pltpu.SemaphoreType.DMA,
            pltpu.SemaphoreType.DMA,
            pltpu.SemaphoreType.DMA,
            pltpu.SemaphoreType.DMA,
        ],
    )
    def k(theta_hbm, fused_hbm, sid_hbm, pid_hbm,
          theta_out, slip_out, guess_out,
          sidx_v, pidx_v, ridx_v, tbuf0, tbuf1, fbuf0, fbuf1,
          slip_v, guess_v, tsem0, tsem1, fsem0, fsem1):
        wid = lax.axis_index("s") * NC + lax.axis_index("c")
        base = wid * BPW
        pltpu.sync_copy(sid_hbm.at[pl.ds(base, BPW)], sidx_v)
        pltpu.sync_copy(pid_hbm.at[pl.ds(base, BPW)], pidx_v)

        for g in range(BPW // L):
            pv = pidx_v[pl.ds(g * L, L)]
            ridx_v[pl.ds(g * L, L)] = lax.shift_right_logical(pv, 7)

        tbufs = (tbuf0, tbuf1)
        fbufs = (fbuf0, fbuf1)
        tsems = (tsem0, tsem1)
        fsems = (fsem0, fsem1)
        ht = [None] * NCH
        hf = [None] * NCH
        ht[0] = pltpu.async_copy(
            theta_hbm.at[sidx_v.at[pl.ds(0, CH)]], tbufs[0], tsems[0])
        hf[0] = pltpu.async_copy(
            fused_hbm.at[ridx_v.at[pl.ds(0, CH)]], fbufs[0], fsems[0])
        for c in range(NCH):
            if c + 1 < NCH:
                ht[c + 1] = pltpu.async_copy(
                    theta_hbm.at[sidx_v.at[pl.ds((c + 1) * CH, CH)]],
                    tbufs[(c + 1) % 2], tsems[(c + 1) % 2])
                hf[c + 1] = pltpu.async_copy(
                    fused_hbm.at[ridx_v.at[pl.ds((c + 1) * CH, CH)]],
                    fbufs[(c + 1) % 2], fsems[(c + 1) % 2])
            ht[c].wait()
            pltpu.sync_copy(tbufs[c % 2],
                            theta_out.at[pl.ds(base + c * CH, CH)])
            hf[c].wait()
            fb = fbufs[c % 2]
            for g in range(CH // L):
                pv = pidx_v[pl.ds(c * CH + g * L, L)]
                col = jnp.bitwise_and(pv, H - 1)
                rows = lax.iota(jnp.int32, L) + (g * L)
                v = plsc.load_gather(fb, [rows, col])
                slip_v[pl.ds(c * CH + g * L, L)] = plsc.bitcast(
                    lax.shift_left(v, 16), jnp.float32)
                guess_v[pl.ds(c * CH + g * L, L)] = plsc.bitcast(
                    jnp.bitwise_and(v, jnp.int32(-65536)), jnp.float32)
        pltpu.sync_copy(slip_v, slip_out.at[pl.ds(base, BPW)])
        pltpu.sync_copy(guess_v, guess_out.at[pl.ds(base, BPW)])

    return k(theta_table, fused_table, student_id, problem_id)


_TC_BLK = 4096


def _tc_body(t_ref, k_ref, s_ref, g_ref, o_ref):
    th = t_ref[...]
    ke = k_ref[...]
    prod = ke * (jax.nn.sigmoid(th) - 0.5)
    ones = jnp.ones((1, H), jnp.float32)
    n = lax.dot_general(ones, prod, (((1,), (1,)), ((), ())),
                        preferred_element_type=jnp.float32)
    p = jax.nn.sigmoid(n * INV_T)
    s = jax.nn.sigmoid(s_ref[...].reshape(1, _TC_BLK) * MAX_SLIP)
    g = jax.nn.sigmoid(g_ref[...].reshape(1, _TC_BLK) * MAX_GUESS)
    out = (1.0 - s) * p + g * (1.0 - p)
    o_ref[...] = out.reshape(_TC_BLK)


def _tc_math(theta_g, knowledge_emb, slip_g, guess_g):
    return pl.pallas_call(
        _tc_body,
        grid=(B // _TC_BLK,),
        in_specs=[
            pl.BlockSpec((_TC_BLK, H), lambda i: (i, 0)),
            pl.BlockSpec((_TC_BLK, H), lambda i: (i, 0)),
            pl.BlockSpec((_TC_BLK,), lambda i: (i,)),
            pl.BlockSpec((_TC_BLK,), lambda i: (i,)),
        ],
        out_specs=pl.BlockSpec((_TC_BLK,), lambda i: (i,)),
        out_shape=jax.ShapeDtypeStruct((B,), jnp.float32),
    )(theta_g, knowledge_emb, slip_g, guess_g)


def _build_fused(slip_table, guess_table):
    npad = PROWS * H - P
    su = lax.bitcast_convert_type(
        jnp.pad(slip_table[:, 0], (0, npad)), jnp.uint32)
    gu = lax.bitcast_convert_type(
        jnp.pad(guess_table[:, 0], (0, npad)), jnp.uint32)
    s16 = (su + jnp.uint32(0x8000)) >> 16
    g16 = (gu + jnp.uint32(0x8000)) & jnp.uint32(0xFFFF0000)
    words = s16 | g16
    return lax.bitcast_convert_type(words, jnp.int32).reshape(PROWS, H)


def kernel(student_id, problem_id, knowledge_emb, theta_table, slip_table, guess_table):
    fused = _build_fused(slip_table, guess_table)
    theta_g, slip_g, guess_g = _sc_gather(
        theta_table, fused, student_id, problem_id)
    return _tc_math(theta_g, knowledge_emb, slip_g, guess_g)

# --- scband reference (transcript-rebuilt; emitter-appended) ---
"""Pipeline reference for scband-dina-72559177498701 (READ-ONLY COPY).

The authoritative reference and input builder live on the scoring server;
editing this copy changes nothing except your own understanding.
"""

import jax, jax.numpy as jnp
import numpy as np

STUDENT_NUM = 1000000
PROBLEM_NUM = 100000
HIDDEN_DIM = 128
BATCH = 16384
MAX_SLIP = 0.4
MAX_GUESS = 0.4


def setup_inputs(seed: int = 0) -> dict:
    key = jax.random.key(seed)
    ks = jax.random.split(key, 6)
    return {
        "student_id": jax.random.randint(ks[0], (BATCH,), 0, STUDENT_NUM, dtype=jnp.int64 if jax.config.jax_enable_x64 else jnp.int32).astype(jnp.int32),
        "problem_id": jax.random.randint(ks[1], (BATCH,), 0, PROBLEM_NUM).astype(jnp.int32),
        "knowledge_emb": jax.random.uniform(ks[2], (BATCH, HIDDEN_DIM), dtype=jnp.float32),
        "theta_table": jax.random.normal(ks[3], (STUDENT_NUM, HIDDEN_DIM), dtype=jnp.float32),
        "slip_table": jax.random.normal(ks[4], (PROBLEM_NUM, 1), dtype=jnp.float32),
        "guess_table": jax.random.normal(ks[5], (PROBLEM_NUM, 1), dtype=jnp.float32),
    }


def reference(student_id, problem_id, knowledge_emb, theta_table, slip_table, guess_table):
    # Embedding lookups
    theta = jnp.take(theta_table, student_id, axis=0)              # [B, H]
    slip = jax.nn.sigmoid(jnp.take(slip_table, problem_id, axis=0) * MAX_SLIP)[:, 0]    # [B]
    guess = jax.nn.sigmoid(jnp.take(guess_table, problem_id, axis=0) * MAX_GUESS)[:, 0]  # [B]
    # Training-mode branch (module default is training=True, step=0)
    n = jnp.sum(knowledge_emb * (jax.nn.sigmoid(theta) - 0.5), axis=1)  # [B]
    step = 0
    max_step = 1000
    t = max((np.sin(2 * np.pi * step / max_step) + 1) / 2 * 100, 1e-06)  # == 50.0 at step 0
    logits = jnp.stack([n, jnp.zeros_like(n)], axis=1) / t               # [B, 2]
    probs = jax.nn.softmax(logits, axis=-1)                              # [B, 2]
    vals = jnp.stack([1.0 - slip, guess], axis=1)                        # [B, 2]
    return jnp.sum(vals * probs, axis=1)                                 # [B]

if __name__ == "__main__":
    import jax
    _d = setup_inputs()
    print(jax.jit(kernel)(*tuple(_d.values())))

</pallas_src>

<mosaic_0001>
#map = affine_map<(d0, d1) -> (0, 0)>
#map1 = affine_map<(d0, d1) -> (0)>
module attributes {stable_mosaic.version = 14 : i64} {
  func.func @k(%arg0: i32, %arg1: i32, %arg2: memref<1000000x128xf32, #tpu.memory_space<hbm>>, %arg3: memref<782x128xi32, #tpu.memory_space<hbm>>, %arg4: memref<16384xi32, #tpu.memory_space<hbm>>, %arg5: memref<16384xi32, #tpu.memory_space<hbm>>, %arg6: memref<16384x128xf32, #tpu.memory_space<hbm>>, %arg7: memref<16384xf32, #tpu.memory_space<hbm>>, %arg8: memref<16384xf32, #tpu.memory_space<hbm>>, %arg9: memref<512xi32, #tpu.memory_space<vmem>>, %arg10: memref<512xi32, #tpu.memory_space<vmem>>, %arg11: memref<512xi32, #tpu.memory_space<vmem>>, %arg12: memref<128x128xf32, #tpu.memory_space<vmem>>, %arg13: memref<128x128xf32, #tpu.memory_space<vmem>>, %arg14: memref<128x128xi32, #tpu.memory_space<vmem>>, %arg15: memref<128x128xi32, #tpu.memory_space<vmem>>, %arg16: memref<512xf32, #tpu.memory_space<vmem>>, %arg17: memref<512xf32, #tpu.memory_space<vmem>>, %arg18: memref<!tpu.dma_semaphore, #tpu.memory_space<semaphore_mem>>, %arg19: memref<!tpu.dma_semaphore, #tpu.memory_space<semaphore_mem>>, %arg20: memref<!tpu.dma_semaphore, #tpu.memory_space<semaphore_mem>>, %arg21: memref<!tpu.dma_semaphore, #tpu.memory_space<semaphore_mem>>) attributes {dimension_semantics = [#tpu.dimension_semantics<core_parallel>, #tpu.dimension_semantics<subcore_parallel>], iteration_bounds = array<i64: 2, 16>, scalar_prefetch = 0 : i64, scratch_operands = 13 : i64, tpu.core_type = #tpu.core_type<sc_vector_subcore>, window_params = [{transform_indices = #map}, {transform_indices = #map}, {transform_indices = #map1}, {transform_indices = #map1}, {transform_indices = #map}, {transform_indices = #map1}, {transform_indices = #map1}]} {
    %mul3A = arith.constant 2 : i32
    %mul3A_0 = arith.muli %arg1, %mul3A : i32
    %add3A = arith.addi %mul3A_0, %arg0 : i32
    %mul3A_1 = arith.constant 512 : i32
    %mul3A_2 = arith.muli %add3A, %mul3A_1 : i32
    "tpu.region"() ({
      %run_scoped3A = tpu.sem_alloc : memref<!tpu.dma_semaphore, #tpu.memory_space<semaphore_mem>>
      %dma_start3A_1009 = tpu.memref_slice %arg4[%mul3A_2] : memref<16384xi32, #tpu.memory_space<hbm>> -> memref<512xi32, #tpu.memory_space<hbm>>
      %dma_start3A_1010 = tpu.memref_slice %arg4[%mul3A_2] : memref<16384xi32, #tpu.memory_space<hbm>> -> memref<512xi32, #tpu.memory_space<hbm>>
      tpu.enqueue_dma source(%dma_start3A_1010 : memref<512xi32, #tpu.memory_space<hbm>>) target(%arg9 : memref<512xi32, #tpu.memory_space<vmem>>) target_semaphore(%run_scoped3A : memref<!tpu.dma_semaphore, #tpu.memory_space<semaphore_mem>>)
      %dma_wait3A_1011 = tpu.memref_slice %arg4[%mul3A_2] : memref<16384xi32, #tpu.memory_space<hbm>> -> memref<512xi32, #tpu.memory_space<hbm>>
      %dma_wait3A_1012 = tpu.memref_slice %arg4[%mul3A_2] : memref<16384xi32, #tpu.memory_space<hbm>> -> memref<512xi32, #tpu.memory_space<hbm>>
      tpu.wait_dma2 semaphore(%run_scoped3A : memref<!tpu.dma_semaphore, #tpu.memory_space<semaphore_mem>>) src(%dma_wait3A_1012 : memref<512xi32, #tpu.memory_space<hbm>>) dst(%arg9 : memref<512xi32, #tpu.memory_space<vmem>>)
      tpu.yield
    }) : () -> ()
    "tpu.region"() ({
      %run_scoped3A = tpu.sem_alloc : memref<!tpu.dma_semaphore, #tpu.memory_space<semaphore_mem>>
      %dma_start3A_1009 = tpu.memref_slice %arg5[%mul3A_2] : memref<16384xi32, #tpu.memory_space<hbm>> -> memref<512xi32, #tpu.memory_space<hbm>>
      %dma_start3A_1010 = tpu.memref_slice %arg5[%mul3A_2] : memref<16384xi32, #tpu.memory_space<hbm>> -> memref<512xi32, #tpu.memory_space<hbm>>
      tpu.enqueue_dma source(%dma_start3A_1010 : memref<512xi32, #tpu.memory_space<hbm>>) target(%arg10 : memref<512xi32, #tpu.memory_space<vmem>>) target_semaphore(%run_scoped3A : memref<!tpu.dma_semaphore, #tpu.memory_space<semaphore_mem>>)
      %dma_wait3A_1011 = tpu.memref_slice %arg5[%mul3A_2] : memref<16384xi32, #tpu.memory_space<hbm>> -> memref<512xi32, #tpu.memory_space<hbm>>
      %dma_wait3A_1012 = tpu.memref_slice %arg5[%mul3A_2] : memref<16384xi32, #tpu.memory_space<hbm>> -> memref<512xi32, #tpu.memory_space<hbm>>
      tpu.wait_dma2 semaphore(%run_scoped3A : memref<!tpu.dma_semaphore, #tpu.memory_space<semaphore_mem>>) src(%dma_wait3A_1012 : memref<512xi32, #tpu.memory_space<hbm>>) dst(%arg10 : memref<512xi32, #tpu.memory_space<vmem>>)
      tpu.yield
    }) : () -> ()
    %get3A = arith.constant 0 : index
    %get3A_3 = tpu.vector_load %arg10[%get3A] {strides = array<i32>} : memref<512xi32, #tpu.memory_space<vmem>>, vector<16xi32>,
    %shift_right_logical3A = arith.constant 7 : i32
    %shift_right_logical3A_4 = vector.broadcast %shift_right_logical3A : i32 to vector<16xi32>
    %shift_right_logical3A_5 = arith.shrui %get3A_3, %shift_right_logical3A_4 : vector<16xi32>
    %swap3A = arith.constant 0 : index
    %swap3A_6 = tpu.vector_load %arg11[%swap3A] {strides = array<i32>} : memref<512xi32, #tpu.memory_space<vmem>>, vector<16xi32>,
    tpu.vector_store %arg11[%swap3A], %shift_right_logical3A_5 {strides = array<i32>} : memref<512xi32, #tpu.memory_space<vmem>>, vector<16xi32>,
    %get3A_7 = arith.constant 16 : index
    %get3A_8 = tpu.vector_load %arg10[%get3A_7] {strides = array<i32>} : memref<512xi32, #tpu.memory_space<vmem>>, vector<16xi32>,
    %shift_right_logical3A_9 = arith.constant 7 : i32
    %shift_right_logical3A_10 = vector.broadcast %shift_right_logical3A_9 : i32 to vector<16xi32>
    %shift_right_logical3A_11 = arith.shrui %get3A_8, %shift_right_logical3A_10 : vector<16xi32>
    %swap3A_12 = arith.constant 16 : index
    %swap3A_13 = tpu.vector_load %arg11[%swap3A_12] {strides = array<i32>} : memref<512xi32, #tpu.memory_space<vmem>>, vector<16xi32>,
    tpu.vector_store %arg11[%swap3A_12], %shift_right_logical3A_11 {strides = array<i32>} : memref<512xi32, #tpu.memory_space<vmem>>, vector<16xi32>,
    %get3A_14 = arith.constant 32 : index
    %get3A_15 = tpu.vector_load %arg10[%get3A_14] {strides = array<i32>} : memref<512xi32, #tpu.memory_space<vmem>>, vector<16xi32>,
    %shift_right_logical3A_16 = arith.constant 7 : i32
    %shift_right_logical3A_17 = vector.broadcast %shift_right_logical3A_16 : i32 to vector<16xi32>
    %shift_right_logical3A_18 = arith.shrui %get3A_15, %shift_right_logical3A_17 : vector<16xi32>
    %swap3A_19 = arith.constant 32 : index
    %swap3A_20 = tpu.vector_load %arg11[%swap3A_19] {strides = array<i32>} : memref<512xi32, #tpu.memory_space<vmem>>, vector<16xi32>,
    tpu.vector_store %arg11[%swap3A_19], %shift_right_logical3A_18 {strides = array<i32>} : memref<512xi32, #tpu.memory_space<vmem>>, vector<16xi32>,
    %get3A_21 = arith.constant 48 : index
    %get3A_22 = tpu.vector_load %arg10[%get3A_21] {strides = array<i32>} : memref<512xi32, #tpu.memory_space<vmem>>, vector<16xi32>,
    %shift_right_logical3A_23 = arith.constant 7 : i32
    %shift_right_logical3A_24 = vector.broadcast %shift_right_logical3A_23 : i32 to vector<16xi32>
    %shift_right_logical3A_25 = arith.shrui %get3A_22, %shift_right_logical3A_24 : vector<16xi32>
    %swap3A_26 = arith.constant 48 : index
    %swap3A_27 = tpu.vector_load %arg11[%swap3A_26] {strides = array<i32>} : memref<512xi32, #tpu.memory_space<vmem>>, vector<16xi32>,
    tpu.vector_store %arg11[%swap3A_26], %shift_right_logical3A_25 {strides = array<i32>} : memref<512xi32, #tpu.memory_space<vmem>>, vector<16xi32>,
    %get3A_28 = arith.constant 64 : index
    %get3A_29 = tpu.vector_load %arg10[%get3A_28] {strides = array<i32>} : memref<512xi32, #tpu.memory_space<vmem>>, vector<16xi32>,
    %shift_right_logical3A_30 = arith.constant 7 : i32
    %shift_right_logical3A_31 = vector.broadcast %shift_right_logical3A_30 : i32 to vector<16xi32>
    %shift_right_logical3A_32 = arith.shrui %get3A_29, %shift_right_logical3A_31 : vector<16xi32>
    %swap3A_33 = arith.constant 64 : index
    %swap3A_34 = tpu.vector_load %arg11[%swap3A_33] {strides = array<i32>} : memref<512xi32, #tpu.memory_space<vmem>>, vector<16xi32>,
    tpu.vector_store %arg11[%swap3A_33], %shift_right_logical3A_32 {strides = array<i32>} : memref<512xi32, #tpu.memory_space<vmem>>, vector<16xi32>,
    %get3A_35 = arith.constant 80 : index
    %get3A_36 = tpu.vector_load %arg10[%get3A_35] {strides = array<i32>} : memref<512xi32, #tpu.memory_space<vmem>>, vector<16xi32>,
    %shift_right_logical3A_37 = arith.constant 7 : i32
    %shift_right_logical3A_38 = vector.broadcast %shift_right_logical3A_37 : i32 to vector<16xi32>
    %shift_right_logical3A_39 = arith.shrui %get3A_36, %shift_right_logical3A_38 : vector<16xi32>
    %swap3A_40 = arith.constant 80 : index
    %swap3A_41 = tpu.vector_load %arg11[%swap3A_40] {strides = array<i32>} : memref<512xi32, #tpu.memory_space<vmem>>, vector<16xi32>,
    tpu.vector_store %arg11[%swap3A_40], %shift_right_logical3A_39 {strides = array<i32>} : memref<512xi32, #tpu.memory_space<vmem>>, vector<16xi32>,
    %get3A_42 = arith.constant 96 : index
    %get3A_43 = tpu.vector_load %arg10[%get3A_42] {strides = array<i32>} : memref<512xi32, #tpu.memory_space<vmem>>, vector<16xi32>,
    %shift_right_logical3A_44 = arith.constant 7 : i32
    %shift_right_logical3A_45 = vector.broadcast %shift_right_logical3A_44 : i32 to vector<16xi32>
    %shift_right_logical3A_46 = arith.shrui %get3A_43, %shift_right_logical3A_45 : vector<16xi32>
    %swap3A_47 = arith.constant 96 : index
    %swap3A_48 = tpu.vector_load %arg11[%swap3A_47] {strides = array<i32>} : memref<512xi32, #tpu.memory_space<vmem>>, vector<16xi32>,
    tpu.vector_store %arg11[%swap3A_47], %shift_right_logical3A_46 {strides = array<i32>} : memref<512xi32, #tpu.memory_space<vmem>>, vector<16xi32>,
    %get3A_49 = arith.constant 112 : index
    %get3A_50 = tpu.vector_load %arg10[%get3A_49] {strides = array<i32>} : memref<512xi32, #tpu.memory_space<vmem>>, vector<16xi32>,
    %shift_right_logical3A_51 = arith.constant 7 : i32
    %shift_right_logical3A_52 = vector.broadcast %shift_right_logical3A_51 : i32 to vector<16xi32>
    %shift_right_logical3A_53 = arith.shrui %get3A_50, %shift_right_logical3A_52 : vector<16xi32>
    %swap3A_54 = arith.constant 112 : index
    %swap3A_55 = tpu.vector_load %arg11[%swap3A_54] {strides = array<i32>} : memref<512xi32, #tpu.memory_space<vmem>>, vector<16xi32>,
    tpu.vector_store %arg11[%swap3A_54], %shift_right_logical3A_53 {strides = array<i32>} : memref<512xi32, #tpu.memory_space<vmem>>, vector<16xi32>,
    %get3A_56 = arith.constant 128 : index
    %get3A_57 = tpu.vector_load %arg10[%get3A_56] {strides = array<i32>} : memref<512xi32, #tpu.memory_space<vmem>>, vector<16xi32>,
    %shift_right_logical3A_58 = arith.constant 7 : i32
    %shift_right_logical3A_59 = vector.broadcast %shift_right_logical3A_58 : i32 to vector<16xi32>
    %shift_right_logical3A_60 = arith.shrui %get3A_57, %shift_right_logical3A_59 : vector<16xi32>
    %swap3A_61 = arith.constant 128 : index
    %swap3A_62 = tpu.vector_load %arg11[%swap3A_61] {strides = array<i32>} : memref<512xi32, #tpu.memory_space<vmem>>, vector<16xi32>,
    tpu.vector_store %arg11[%swap3A_61], %shift_right_logical3A_60 {strides = array<i32>} : memref<512xi32, #tpu.memory_space<vmem>>, vector<16xi32>,
    %get3A_63 = arith.constant 144 : index
    %get3A_64 = tpu.vector_load %arg10[%get3A_63] {strides = array<i32>} : memref<512xi32, #tpu.memory_space<vmem>>, vector<16xi32>,
    %shift_right_logical3A_65 = arith.constant 7 : i32
    %shift_right_logical3A_66 = vector.broadcast %shift_right_logical3A_65 : i32 to vector<16xi32>
    %shift_right_logical3A_67 = arith.shrui %get3A_64, %shift_right_logical3A_66 : vector<16xi32>
    %swap3A_68 = arith.constant 144 : index
    %swap3A_69 = tpu.vector_load %arg11[%swap3A_68] {strides = array<i32>} : memref<512xi32, #tpu.memory_space<vmem>>, vector<16xi32>,
    tpu.vector_store %arg11[%swap3A_68], %shift_right_logical3A_67 {strides = array<i32>} : memref<512xi32, #tpu.memory_space<vmem>>, vector<16xi32>,
    %get3A_70 = arith.constant 160 : index
    %get3A_71 = tpu.vector_load %arg10[%get3A_70] {strides = array<i32>} : memref<512xi32, #tpu.memory_space<vmem>>, vector<16xi32>,
    %shift_right_logical3A_72 = arith.constant 7 : i32
    %shift_right_logical3A_73 = vector.broadcast %shift_right_logical3A_72 : i32 to vector<16xi32>
    %shift_right_logical3A_74 = arith.shrui %get3A_71, %shift_right_logical3A_73 : vector<16xi32>
    %swap3A_75 = arith.constant 160 : index
    %swap3A_76 = tpu.vector_load %arg11[%swap3A_75] {strides = array<i32>} : memref<512xi32, #tpu.memory_space<vmem>>, vector<16xi32>,
    tpu.vector_store %arg11[%swap3A_75], %shift_right_logical3A_74 {strides = array<i32>} : memref<512xi32, #tpu.memory_space<vmem>>, vector<16xi32>,
    %get3A_77 = arith.constant 176 : index
    %get3A_78 = tpu.vector_load %arg10[%get3A_77] {strides = array<i32>} : memref<512xi32, #tpu.memory_space<vmem>>, vector<16xi32>,
    %shift_right_logical3A_79 = arith.constant 7 : i32
    %shift_right_logical3A_80 = vector.broadcast %shift_right_logical3A_79 : i32 to vector<16xi32>
    %shift_right_logical3A_81 = arith.shrui %get3A_78, %shift_right_logical3A_80 : vector<16xi32>
    %swap3A_82 = arith.constant 176 : index
    %swap3A_83 = tpu.vector_load %arg11[%swap3A_82] {strides = array<i32>} : memref<512xi32, #tpu.memory_space<vmem>>, vector<16xi32>,
    tpu.vector_store %arg11[%swap3A_82], %shift_right_logical3A_81 {strides = array<i32>} : memref<512xi32, #tpu.memory_space<vmem>>, vector<16xi32>,
    %get3A_84 = arith.constant 192 : index
    %get3A_85 = tpu.vector_load %arg10[%get3A_84] {strides = array<i32>} : memref<512xi32, #tpu.memory_space<vmem>>, vector<16xi32>,
    %shift_right_logical3A_86 = arith.constant 7 : i32
    %shift_right_logical3A_87 = vector.broadcast %shift_right_logical3A_86 : i32 to vector<16xi32>
    %shift_right_logical3A_88 = arith.shrui %get3A_85, %shift_right_logical3A_87 : vector<16xi32>
    %swap3A_89 = arith.constant 192 : index
    %swap3A_90 = tpu.vector_load %arg11[%swap3A_89] {strides = array<i32>} : memref<512xi32, #tpu.memory_space<vmem>>, vector<16xi32>,
    tpu.vector_store %arg11[%swap3A_89], %shift_right_logical3A_88 {strides = array<i32>} : memref<512xi32, #tpu.memory_space<vmem>>, vector<16xi32>,
    %get3A_91 = arith.constant 208 : index
    %get3A_92 = tpu.vector_load %arg10[%get3A_91] {strides = array<i32>} : memref<512xi32, #tpu.memory_space<vmem>>, vector<16xi32>,
    %shift_right_logical3A_93 = arith.constant 7 : i32
    %shift_right_logical3A_94 = vector.broadcast %shift_right_logical3A_93 : i32 to vector<16xi32>
    %shift_right_logical3A_95 = arith.shrui %get3A_92, %shift_right_logical3A_94 : vector<16xi32>
    %swap3A_96 = arith.constant 208 : index
    %swap3A_97 = tpu.vector_load %arg11[%swap3A_96] {strides = array<i32>} : memref<512xi32, #tpu.memory_space<vmem>>, vector<16xi32>,
    tpu.vector_store %arg11[%swap3A_96], %shift_right_logical3A_95 {strides = array<i32>} : memref<512xi32, #tpu.memory_space<vmem>>, vector<16xi32>,
    %get3A_98 = arith.constant 224 : index
    %get3A_99 = tpu.vector_load %arg10[%get3A_98] {strides = array<i32>} : memref<512xi32, #tpu.memory_space<vmem>>, vector<16xi32>,
    %shift_right_logical3A_100 = arith.constant 7 : i32
    %shift_right_logical3A_101 = vector.broadcast %shift_right_logical3A_100 : i32 to vector<16xi32>
    %shift_right_logical3A_102 = arith.shrui %get3A_99, %shift_right_logical3A_101 : vector<16xi32>
    %swap3A_103 = arith.constant 224 : index
    %swap3A_104 = tpu.vector_load %arg11[%swap3A_103] {strides = array<i32>} : memref<512xi32, #tpu.memory_space<vmem>>, vector<16xi32>,
    tpu.vector_store %arg11[%swap3A_103], %shift_right_logical3A_102 {strides = array<i32>} : memref<512xi32, #tpu.memory_space<vmem>>, vector<16xi32>,
    %get3A_105 = arith.constant 240 : index
    %get3A_106 = tpu.vector_load %arg10[%get3A_105] {strides = array<i32>} : memref<512xi32, #tpu.memory_space<vmem>>, vector<16xi32>,
    %shift_right_logical3A_107 = arith.constant 7 : i32
    %shift_right_logical3A_108 = vector.broadcast %shift_right_logical3A_107 : i32 to vector<16xi32>
    %shift_right_logical3A_109 = arith.shrui %get3A_106, %shift_right_logical3A_108 : vector<16xi32>
    %swap3A_110 = arith.constant 240 : index
    %swap3A_111 = tpu.vector_load %arg11[%swap3A_110] {strides = array<i32>} : memref<512xi32, #tpu.memory_space<vmem>>, vector<16xi32>,
    tpu.vector_store %arg11[%swap3A_110], %shift_right_logical3A_109 {strides = array<i32>} : memref<512xi32, #tpu.memory_space<vmem>>, vector<16xi32>,
    %get3A_112 = arith.constant 256 : index
    %get3A_113 = tpu.vector_load %arg10[%get3A_112] {strides = array<i32>} : memref<512xi32, #tpu.memory_space<vmem>>, vector<16xi32>,
    %shift_right_logical3A_114 = arith.constant 7 : i32
    %shift_right_logical3A_115 = vector.broadcast %shift_right_logical3A_114 : i32 to vector<16xi32>
    %shift_right_logical3A_116 = arith.shrui %get3A_113, %shift_right_logical3A_115 : vector<16xi32>
    %swap3A_117 = arith.constant 256 : index
    %swap3A_118 = tpu.vector_load %arg11[%swap3A_117] {strides = array<i32>} : memref<512xi32, #tpu.memory_space<vmem>>, vector<16xi32>,
    tpu.vector_store %arg11[%swap3A_117], %shift_right_logical3A_116 {strides = array<i32>} : memref<512xi32, #tpu.memory_space<vmem>>, vector<16xi32>,
    %get3A_119 = arith.constant 272 : index
    %get3A_120 = tpu.vector_load %arg10[%get3A_119] {strides = array<i32>} : memref<512xi32, #tpu.memory_space<vmem>>, vector<16xi32>,
    %shift_right_logical3A_121 = arith.constant 7 : i32
    %shift_right_logical3A_122 = vector.broadcast %shift_right_logical3A_121 : i32 to vector<16xi32>
    %shift_right_logical3A_123 = arith.shrui %get3A_120, %shift_right_logical3A_122 : vector<16xi32>
    %swap3A_124 = arith.constant 272 : index
    %swap3A_125 = tpu.vector_load %arg11[%swap3A_124] {strides = array<i32>} : memref<512xi32, #tpu.memory_space<vmem>>, vector<16xi32>,
    tpu.vector_store %arg11[%swap3A_124], %shift_right_logical3A_123 {strides = array<i32>} : memref<512xi32, #tpu.memory_space<vmem>>, vector<16xi32>,
    %get3A_126 = arith.constant 288 : index
    %get3A_127 = tpu.vector_load %arg10[%get3A_126] {strides = array<i32>} : memref<512xi32, #tpu.memory_space<vmem>>, vector<16xi32>,
    %shift_right_logical3A_128 = arith.constant 7 : i32
    %shift_right_logical3A_129 = vector.broadcast %shift_right_logical3A_128 : i32 to vector<16xi32>
    %shift_right_logical3A_130 = arith.shrui %get3A_127, %shift_right_logical3A_129 : vector<16xi32>
    %swap3A_131 = arith.constant 288 : index
    %swap3A_132 = tpu.vector_load %arg11[%swap3A_131] {strides = array<i32>} : memref<512xi32, #tpu.memory_space<vmem>>, vector<16xi32>,
    tpu.vector_store %arg11[%swap3A_131], %shift_right_logical3A_130 {strides = array<i32>} : memref<512xi32, #tpu.memory_space<vmem>>, vector<16xi32>,
    %get3A_133 = arith.constant 304 : index
    %get3A_134 = tpu.vector_load %arg10[%get3A_133] {strides = array<i32>} : memref<512xi32, #tpu.memory_space<vmem>>, vector<16xi32>,
    %shift_right_logical3A_135 = arith.constant 7 : i32
    %shift_right_logical3A_136 = vector.broadcast %shift_right_logical3A_135 : i32 to vector<16xi32>
    %shift_right_logical3A_137 = arith.shrui %get3A_134, %shift_right_logical3A_136 : vector<16xi32>
    %swap3A_138 = arith.constant 304 : index
    %swap3A_139 = tpu.vector_load %arg11[%swap3A_138] {strides = array<i32>} : memref<512xi32, #tpu.memory_space<vmem>>, vector<16xi32>,
    tpu.vector_store %arg11[%swap3A_138], %shift_right_logical3A_137 {strides = array<i32>} : memref<512xi32, #tpu.memory_space<vmem>>, vector<16xi32>,
    %get3A_140 = arith.constant 320 : index
    %get3A_141 = tpu.vector_load %arg10[%get3A_140] {strides = array<i32>} : memref<512xi32, #tpu.memory_space<vmem>>, vector<16xi32>,
    %shift_right_logical3A_142 = arith.constant 7 : i32
    %shift_right_logical3A_143 = vector.broadcast %shift_right_logical3A_142 : i32 to vector<16xi32>
    %shift_right_logical3A_144 = arith.shrui %get3A_141, %shift_right_logical3A_143 : vector<16xi32>
    %swap3A_145 = arith.constant 320 : index
    %swap3A_146 = tpu.vector_load %arg11[%swap3A_145] {strides = array<i32>} : memref<512xi32, #tpu.memory_space<vmem>>, vector<16xi32>,
    tpu.vector_store %arg11[%swap3A_145], %shift_right_logical3A_144 {strides = array<i32>} : memref<512xi32, #tpu.memory_space<vmem>>, vector<16xi32>,
    %get3A_147 = arith.constant 336 : index
    %get3A_148 = tpu.vector_load %arg10[%get3A_147] {strides = array<i32>} : memref<512xi32, #tpu.memory_space<vmem>>, vector<16xi32>,
    %shift_right_logical3A_149 = arith.constant 7 : i32
    %shift_right_logical3A_150 = vector.broadcast %shift_right_logical3A_149 : i32 to vector<16xi32>
    %shift_right_logical3A_151 = arith.shrui %get3A_148, %shift_right_logical3A_150 : vector<16xi32>
    %swap3A_152 = arith.constant 336 : index
    %swap3A_153 = tpu.vector_load %arg11[%swap3A_152] {strides = array<i32>} : memref<512xi32, #tpu.memory_space<vmem>>, vector<16xi32>,
    tpu.vector_store %arg11[%swap3A_152], %shift_right_logical3A_151 {strides = array<i32>} : memref<512xi32, #tpu.memory_space<vmem>>, vector<16xi32>,
    %get3A_154 = arith.constant 352 : index
    %get3A_155 = tpu.vector_load %arg10[%get3A_154] {strides = array<i32>} : memref<512xi32, #tpu.memory_space<vmem>>, vector<16xi32>,
    %shift_right_logical3A_156 = arith.constant 7 : i32
    %shift_right_logical3A_157 = vector.broadcast %shift_right_logical3A_156 : i32 to vector<16xi32>
    %shift_right_logical3A_158 = arith.shrui %get3A_155, %shift_right_logical3A_157 : vector<16xi32>
    %swap3A_159 = arith.constant 352 : index
    %swap3A_160 = tpu.vector_load %arg11[%swap3A_159] {strides = array<i32>} : memref<512xi32, #tpu.memory_space<vmem>>, vector<16xi32>,
    tpu.vector_store %arg11[%swap3A_159], %shift_right_logical3A_158 {strides = array<i32>} : memref<512xi32, #tpu.memory_space<vmem>>, vector<16xi32>,
    %get3A_161 = arith.constant 368 : index
    %get3A_162 = tpu.vector_load %arg10[%get3A_161] {strides = array<i32>} : memref<512xi32, #tpu.memory_space<vmem>>, vector<16xi32>,
    %shift_right_logical3A_163 = arith.constant 7 : i32
    %shift_right_logical3A_164 = vector.broadcast %shift_right_logical3A_163 : i32 to vector<16xi32>
    %shift_right_logical3A_165 = arith.shrui %get3A_162, %shift_right_logical3A_164 : vector<16xi32>
    %swap3A_166 = arith.constant 368 : index
    %swap3A_167 = tpu.vector_load %arg11[%swap3A_166] {strides = array<i32>} : memref<512xi32, #tpu.memory_space<vmem>>, vector<16xi32>,
    tpu.vector_store %arg11[%swap3A_166], %shift_right_logical3A_165 {strides = array<i32>} : memref<512xi32, #tpu.memory_space<vmem>>, vector<16xi32>,
    %get3A_168 = arith.constant 384 : index
    %get3A_169 = tpu.vector_load %arg10[%get3A_168] {strides = array<i32>} : memref<512xi32, #tpu.memory_space<vmem>>, vector<16xi32>,
    %shift_right_logical3A_170 = arith.constant 7 : i32
    %shift_right_logical3A_171 = vector.broadcast %shift_right_logical3A_170 : i32 to vector<16xi32>
    %shift_right_logical3A_172 = arith.shrui %get3A_169, %shift_right_logical3A_171 : vector<16xi32>
    %swap3A_173 = arith.constant 384 : index
    %swap3A_174 = tpu.vector_load %arg11[%swap3A_173] {strides = array<i32>} : memref<512xi32, #tpu.memory_space<vmem>>, vector<16xi32>,
    tpu.vector_store %arg11[%swap3A_173], %shift_right_logical3A_172 {strides = array<i32>} : memref<512xi32, #tpu.memory_space<vmem>>, vector<16xi32>,
    %get3A_175 = arith.constant 400 : index
    %get3A_176 = tpu.vector_load %arg10[%get3A_175] {strides = array<i32>} : memref<512xi32, #tpu.memory_space<vmem>>, vector<16xi32>,
    %shift_right_logical3A_177 = arith.constant 7 : i32
    %shift_right_logical3A_178 = vector.broadcast %shift_right_logical3A_177 : i32 to vector<16xi32>
    %shift_right_logical3A_179 = arith.shrui %get3A_176, %shift_right_logical3A_178 : vector<16xi32>
    %swap3A_180 = arith.constant 400 : index
    %swap3A_181 = tpu.vector_load %arg11[%swap3A_180] {strides = array<i32>} : memref<512xi32, #tpu.memory_space<vmem>>, vector<16xi32>,
    tpu.vector_store %arg11[%swap3A_180], %shift_right_logical3A_179 {strides = array<i32>} : memref<512xi32, #tpu.memory_space<vmem>>, vector<16xi32>,
    %get3A_182 = arith.constant 416 : index
    %get3A_183 = tpu.vector_load %arg10[%get3A_182] {strides = array<i32>} : memref<512xi32, #tpu.memory_space<vmem>>, vector<16xi32>,
    %shift_right_logical3A_184 = arith.constant 7 : i32
    %shift_right_logical3A_185 = vector.broadcast %shift_right_logical3A_184 : i32 to vector<16xi32>
    %shift_right_logical3A_186 = arith.shrui %get3A_183, %shift_right_logical3A_185 : vector<16xi32>
    %swap3A_187 = arith.constant 416 : index
    %swap3A_188 = tpu.vector_load %arg11[%swap3A_187] {strides = array<i32>} : memref<512xi32, #tpu.memory_space<vmem>>, vector<16xi32>,
    tpu.vector_store %arg11[%swap3A_187], %shift_right_logical3A_186 {strides = array<i32>} : memref<512xi32, #tpu.memory_space<vmem>>, vector<16xi32>,
    %get3A_189 = arith.constant 432 : index
    %get3A_190 = tpu.vector_load %arg10[%get3A_189] {strides = array<i32>} : memref<512xi32, #tpu.memory_space<vmem>>, vector<16xi32>,
    %shift_right_logical3A_191 = arith.constant 7 : i32
    %shift_right_logical3A_192 = vector.broadcast %shift_right_logical3A_191 : i32 to vector<16xi32>
    %shift_right_logical3A_193 = arith.shrui %get3A_190, %shift_right_logical3A_192 : vector<16xi32>
    %swap3A_194 = arith.constant 432 : index
    %swap3A_195 = tpu.vector_load %arg11[%swap3A_194] {strides = array<i32>} : memref<512xi32, #tpu.memory_space<vmem>>, vector<16xi32>,
    tpu.vector_store %arg11[%swap3A_194], %shift_right_logical3A_193 {strides = array<i32>} : memref<512xi32, #tpu.memory_space<vmem>>, vector<16xi32>,
    %get3A_196 = arith.constant 448 : index
    %get3A_197 = tpu.vector_load %arg10[%get3A_196] {strides = array<i32>} : memref<512xi32, #tpu.memory_space<vmem>>, vector<16xi32>,
    %shift_right_logical3A_198 = arith.constant 7 : i32
    %shift_right_logical3A_199 = vector.broadcast %shift_right_logical3A_198 : i32 to vector<16xi32>
    %shift_right_logical3A_200 = arith.shrui %get3A_197, %shift_right_logical3A_199 : vector<16xi32>
    %swap3A_201 = arith.constant 448 : index
    %swap3A_202 = tpu.vector_load %arg11[%swap3A_201] {strides = array<i32>} : memref<512xi32, #tpu.memory_space<vmem>>, vector<16xi32>,
    tpu.vector_store %arg11[%swap3A_201], %shift_right_logical3A_200 {strides = array<i32>} : memref<512xi32, #tpu.memory_space<vmem>>, vector<16xi32>,
    %get3A_203 = arith.constant 464 : index
    %get3A_204 = tpu.vector_load %arg10[%get3A_203] {strides = array<i32>} : memref<512xi32, #tpu.memory_space<vmem>>, vector<16xi32>,
    %shift_right_logical3A_205 = arith.constant 7 : i32
    %shift_right_logical3A_206 = vector.broadcast %shift_right_logical3A_205 : i32 to vector<16xi32>
    %shift_right_logical3A_207 = arith.shrui %get3A_204, %shift_right_logical3A_206 : vector<16xi32>
    %swap3A_208 = arith.constant 464 : index
    %swap3A_209 = tpu.vector_load %arg11[%swap3A_208] {strides = array<i32>} : memref<512xi32, #tpu.memory_space<vmem>>, vector<16xi32>,
    tpu.vector_store %arg11[%swap3A_208], %shift_right_logical3A_207 {strides = array<i32>} : memref<512xi32, #tpu.memory_space<vmem>>, vector<16xi32>,
    %get3A_210 = arith.constant 480 : index
    %get3A_211 = tpu.vector_load %arg10[%get3A_210] {strides = array<i32>} : memref<512xi32, #tpu.memory_space<vmem>>, vector<16xi32>,
    %shift_right_logical3A_212 = arith.constant 7 : i32
    %shift_right_logical3A_213 = vector.broadcast %shift_right_logical3A_212 : i32 to vector<16xi32>
    %shift_right_logical3A_214 = arith.shrui %get3A_211, %shift_right_logical3A_213 : vector<16xi32>
    %swap3A_215 = arith.constant 480 : index
    %swap3A_216 = tpu.vector_load %arg11[%swap3A_215] {strides = array<i32>} : memref<512xi32, #tpu.memory_space<vmem>>, vector<16xi32>,
    tpu.vector_store %arg11[%swap3A_215], %shift_right_logical3A_214 {strides = array<i32>} : memref<512xi32, #tpu.memory_space<vmem>>, vector<16xi32>,
    %get3A_217 = arith.constant 496 : index
    %get3A_218 = tpu.vector_load %arg10[%get3A_217] {strides = array<i32>} : memref<512xi32, #tpu.memory_space<vmem>>, vector<16xi32>,
    %shift_right_logical3A_219 = arith.constant 7 : i32
    %shift_right_logical3A_220 = vector.broadcast %shift_right_logical3A_219 : i32 to vector<16xi32>
    %shift_right_logical3A_221 = arith.shrui %get3A_218, %shift_right_logical3A_220 : vector<16xi32>
    %swap3A_222 = arith.constant 496 : index
    %swap3A_223 = tpu.vector_load %arg11[%swap3A_222] {strides = array<i32>} : memref<512xi32, #tpu.memory_space<vmem>>, vector<16xi32>,
    tpu.vector_store %arg11[%swap3A_222], %shift_right_logical3A_221 {strides = array<i32>} : memref<512xi32, #tpu.memory_space<vmem>>, vector<16xi32>,
    %dma_start3A = arith.constant 0 : i32
    %dma_start3A_224 = tpu.memref_slice %arg9[%dma_start3A] : memref<512xi32, #tpu.memory_space<vmem>> -> memref<128xi32, #tpu.memory_space<vmem>>
    %dma_start3A_225 = arith.constant 0 : i32
    %dma_start3A_226 = arith.constant 0 : i32
    %dma_start3A_227 = tpu.memref_slice %arg2[%dma_start3A_225, %dma_start3A_226] : memref<1000000x128xf32, #tpu.memory_space<hbm>> -> memref<1000000x128xf32, #tpu.memory_space<hbm>>
    tpu.enqueue_indirect_dma source(%dma_start3A_227 : memref<1000000x128xf32, #tpu.memory_space<hbm>>) target(%arg12 : memref<128x128xf32, #tpu.memory_space<vmem>>) offsets(%dma_start3A_224 : memref<128xi32, #tpu.memory_space<vmem>>) semaphore(%arg18 : memref<!tpu.dma_semaphore, #tpu.memory_space<semaphore_mem>>)
    %dma_start3A_228 = arith.constant 0 : i32
    %dma_start3A_229 = tpu.memref_slice %arg11[%dma_start3A_228] : memref<512xi32, #tpu.memory_space<vmem>> -> memref<128xi32, #tpu.memory_space<vmem>>
    %dma_start3A_230 = arith.constant 0 : i32
    %dma_start3A_231 = arith.constant 0 : i32
    %dma_start3A_232 = tpu.memref_slice %arg3[%dma_start3A_230, %dma_start3A_231] : memref<782x128xi32, #tpu.memory_space<hbm>> -> memref<782x128xi32, #tpu.memory_space<hbm>>
    tpu.enqueue_indirect_dma source(%dma_start3A_232 : memref<782x128xi32, #tpu.memory_space<hbm>>) target(%arg14 : memref<128x128xi32, #tpu.memory_space<vmem>>) offsets(%dma_start3A_229 : memref<128xi32, #tpu.memory_space<vmem>>) semaphore(%arg20 : memref<!tpu.dma_semaphore, #tpu.memory_space<semaphore_mem>>)
    %dma_start3A_233 = arith.constant 128 : i32
    %dma_start3A_234 = tpu.memref_slice %arg9[%dma_start3A_233] : memref<512xi32, #tpu.memory_space<vmem>> -> memref<128xi32, #tpu.memory_space<vmem>>
    %dma_start3A_235 = arith.constant 0 : i32
    %dma_start3A_236 = arith.constant 0 : i32
    %dma_start3A_237 = tpu.memref_slice %arg2[%dma_start3A_235, %dma_start3A_236] : memref<1000000x128xf32, #tpu.memory_space<hbm>> -> memref<1000000x128xf32, #tpu.memory_space<hbm>>
    tpu.enqueue_indirect_dma source(%dma_start3A_237 : memref<1000000x128xf32, #tpu.memory_space<hbm>>) target(%arg13 : memref<128x128xf32, #tpu.memory_space<vmem>>) offsets(%dma_start3A_234 : memref<128xi32, #tpu.memory_space<vmem>>) semaphore(%arg19 : memref<!tpu.dma_semaphore, #tpu.memory_space<semaphore_mem>>)
    %dma_start3A_238 = arith.constant 128 : i32
    %dma_start3A_239 = tpu.memref_slice %arg11[%dma_start3A_238] : memref<512xi32, #tpu.memory_space<vmem>> -> memref<128xi32, #tpu.memory_space<vmem>>
    %dma_start3A_240 = arith.constant 0 : i32
    %dma_start3A_241 = arith.constant 0 : i32
    %dma_start3A_242 = tpu.memref_slice %arg3[%dma_start3A_240, %dma_start3A_241] : memref<782x128xi32, #tpu.memory_space<hbm>> -> memref<782x128xi32, #tpu.memory_space<hbm>>
    tpu.enqueue_indirect_dma source(%dma_start3A_242 : memref<782x128xi32, #tpu.memory_space<hbm>>) target(%arg15 : memref<128x128xi32, #tpu.memory_space<vmem>>) offsets(%dma_start3A_239 : memref<128xi32, #tpu.memory_space<vmem>>) semaphore(%arg21 : memref<!tpu.dma_semaphore, #tpu.memory_space<semaphore_mem>>)
    %dma_wait3A = arith.constant 0 : i32
    %dma_wait3A_243 = tpu.memref_slice %arg9[%dma_wait3A] : memref<512xi32, #tpu.memory_space<vmem>> -> memref<128xi32, #tpu.memory_space<vmem>>
    %dma_wait3A_244 = arith.constant 0 : i32
    %dma_wait3A_245 = arith.constant 0 : i32
    %dma_wait3A_246 = tpu.memref_slice %arg2[%dma_wait3A_244, %dma_wait3A_245] : memref<1000000x128xf32, #tpu.memory_space<hbm>> -> memref<1000000x128xf32, #tpu.memory_space<hbm>>
    tpu.wait_indirect_dma semaphore(%arg18 : memref<!tpu.dma_semaphore, #tpu.memory_space<semaphore_mem>>) src(%dma_wait3A_246 : memref<1000000x128xf32, #tpu.memory_space<hbm>>) dst(%arg12 : memref<128x128xf32, #tpu.memory_space<vmem>>)
    %add3A_247 = arith.constant 0 : i32
    %add3A_248 = arith.addi %mul3A_2, %add3A_247 : i32
    "tpu.region"() ({
      %run_scoped3A = tpu.sem_alloc : memref<!tpu.dma_semaphore, #tpu.memory_space<semaphore_mem>>
      %dma_start3A_1009 = arith.constant 0 : i32
      %dma_start3A_1010 = tpu.memref_slice %arg6[%add3A_248, %dma_start3A_1009] : memref<16384x128xf32, #tpu.memory_space<hbm>> -> memref<128x128xf32, #tpu.memory_space<hbm>>
      %dma_start3A_1011 = arith.constant 0 : i32
      %dma_start3A_1012 = tpu.memref_slice %arg6[%add3A_248, %dma_start3A_1011] : memref<16384x128xf32, #tpu.memory_space<hbm>> -> memref<128x128xf32, #tpu.memory_space<hbm>>
      tpu.enqueue_dma source(%arg12 : memref<128x128xf32, #tpu.memory_space<vmem>>) target(%dma_start3A_1012 : memref<128x128xf32, #tpu.memory_space<hbm>>) target_semaphore(%run_scoped3A : memref<!tpu.dma_semaphore, #tpu.memory_space<semaphore_mem>>)
      %dma_wait3A_1013 = arith.constant 0 : i32
      %dma_wait3A_1014 = tpu.memref_slice %arg6[%add3A_248, %dma_wait3A_1013] : memref<16384x128xf32, #tpu.memory_space<hbm>> -> memref<128x128xf32, #tpu.memory_space<hbm>>
      %dma_wait3A_1015 = arith.constant 0 : i32
      %dma_wait3A_1016 = tpu.memref_slice %arg6[%add3A_248, %dma_wait3A_1015] : memref<16384x128xf32, #tpu.memory_space<hbm>> -> memref<128x128xf32, #tpu.memory_space<hbm>>
      tpu.wait_dma2 semaphore(%run_scoped3A : memref<!tpu.dma_semaphore, #tpu.memory_space<semaphore_mem>>) src(%arg12 : memref<128x128xf32, #tpu.memory_space<vmem>>) dst(%dma_wait3A_1016 : memref<128x128xf32, #tpu.memory_space<hbm>>)
      tpu.yield
    }) : () -> ()
    %dma_wait3A_249 = arith.constant 0 : i32
    %dma_wait3A_250 = tpu.memref_slice %arg11[%dma_wait3A_249] : memref<512xi32, #tpu.memory_space<vmem>> -> memref<128xi32, #tpu.memory_space<vmem>>
    %dma_wait3A_251 = arith.constant 0 : i32
    %dma_wait3A_252 = arith.constant 0 : i32
    %dma_wait3A_253 = tpu.memref_slice %arg3[%dma_wait3A_251, %dma_wait3A_252] : memref<782x128xi32, #tpu.memory_space<hbm>> -> memref<782x128xi32, #tpu.memory_space<hbm>>
    tpu.wait_indirect_dma semaphore(%arg20 : memref<!tpu.dma_semaphore, #tpu.memory_space<semaphore_mem>>) src(%dma_wait3A_253 : memref<782x128xi32, #tpu.memory_space<hbm>>) dst(%arg14 : memref<128x128xi32, #tpu.memory_space<vmem>>)
    %get3A_254 = arith.constant 0 : index
    %get3A_255 = tpu.vector_load %arg10[%get3A_254] {strides = array<i32>} : memref<512xi32, #tpu.memory_space<vmem>>, vector<16xi32>,
    %and3A = arith.constant 127 : i32
    %and3A_256 = vector.broadcast %and3A : i32 to vector<16xi32>
    %and3A_257 = arith.andi %get3A_255, %and3A_256 : vector<16xi32>
    %iota3A = tpu.iota {dimensions = array<i32: 0>} : vector<16xi32>
    %add3A_258 = arith.constant 0 : i32
    %add3A_259 = vector.broadcast %add3A_258 : i32 to vector<16xi32>
    %add3A_260 = arith.addi %iota3A, %add3A_259 : vector<16xi32>
    %gather3A = tpu.vector_load_idx %arg14[%add3A_260, %and3A_257] : memref<128x128xi32, #tpu.memory_space<vmem>>[vector<16xi32>, vector<16xi32>], vector<16xi32>,
    %shift_left3A = arith.constant 16 : i32
    %shift_left3A_261 = vector.broadcast %shift_left3A : i32 to vector<16xi32>
    %shift_left3A_262 = arith.shli %gather3A, %shift_left3A_261 : vector<16xi32>
    %bitcast3A = vector.bitcast %shift_left3A_262 : vector<16xi32> to vector<16xf32>
    %swap3A_263 = arith.constant 0 : index
    %swap3A_264 = tpu.vector_load %arg16[%swap3A_263] {strides = array<i32>} : memref<512xf32, #tpu.memory_space<vmem>>, vector<16xf32>,
    tpu.vector_store %arg16[%swap3A_263], %bitcast3A {strides = array<i32>} : memref<512xf32, #tpu.memory_space<vmem>>, vector<16xf32>,
    %and3A_265 = arith.constant -65536 : i32
    %and3A_266 = vector.broadcast %and3A_265 : i32 to vector<16xi32>
    %and3A_267 = arith.andi %gather3A, %and3A_266 : vector<16xi32>
    %bitcast3A_268 = vector.bitcast %and3A_267 : vector<16xi32> to vector<16xf32>
    %swap3A_269 = arith.constant 0 : index
    %swap3A_270 = tpu.vector_load %arg17[%swap3A_269] {strides = array<i32>} : memref<512xf32, #tpu.memory_space<vmem>>, vector<16xf32>,
    tpu.vector_store %arg17[%swap3A_269], %bitcast3A_268 {strides = array<i32>} : memref<512xf32, #tpu.memory_space<vmem>>, vector<16xf32>,
    %get3A_271 = arith.constant 16 : index
    %get3A_272 = tpu.vector_load %arg10[%get3A_271] {strides = array<i32>} : memref<512xi32, #tpu.memory_space<vmem>>, vector<16xi32>,
    %and3A_273 = arith.constant 127 : i32
    %and3A_274 = vector.broadcast %and3A_273 : i32 to vector<16xi32>
    %and3A_275 = arith.andi %get3A_272, %and3A_274 : vector<16xi32>
    %iota3A_276 = tpu.iota {dimensions = array<i32: 0>} : vector<16xi32>
    %add3A_277 = arith.constant 16 : i32
    %add3A_278 = vector.broadcast %add3A_277 : i32 to vector<16xi32>
    %add3A_279 = arith.addi %iota3A_276, %add3A_278 : vector<16xi32>
    %gather3A_280 = tpu.vector_load_idx %arg14[%add3A_279, %and3A_275] : memref<128x128xi32, #tpu.memory_space<vmem>>[vector<16xi32>, vector<16xi32>], vector<16xi32>,
    %shift_left3A_281 = arith.constant 16 : i32
    %shift_left3A_282 = vector.broadcast %shift_left3A_281 : i32 to vector<16xi32>
    %shift_left3A_283 = arith.shli %gather3A_280, %shift_left3A_282 : vector<16xi32>
    %bitcast3A_284 = vector.bitcast %shift_left3A_283 : vector<16xi32> to vector<16xf32>
    %swap3A_285 = arith.constant 16 : index
    %swap3A_286 = tpu.vector_load %arg16[%swap3A_285] {strides = array<i32>} : memref<512xf32, #tpu.memory_space<vmem>>, vector<16xf32>,
    tpu.vector_store %arg16[%swap3A_285], %bitcast3A_284 {strides = array<i32>} : memref<512xf32, #tpu.memory_space<vmem>>, vector<16xf32>,
    %and3A_287 = arith.constant -65536 : i32
    %and3A_288 = vector.broadcast %and3A_287 : i32 to vector<16xi32>
    %and3A_289 = arith.andi %gather3A_280, %and3A_288 : vector<16xi32>
    %bitcast3A_290 = vector.bitcast %and3A_289 : vector<16xi32> to vector<16xf32>
    %swap3A_291 = arith.constant 16 : index
    %swap3A_292 = tpu.vector_load %arg17[%swap3A_291] {strides = array<i32>} : memref<512xf32, #tpu.memory_space<vmem>>, vector<16xf32>,
    tpu.vector_store %arg17[%swap3A_291], %bitcast3A_290 {strides = array<i32>} : memref<512xf32, #tpu.memory_space<vmem>>, vector<16xf32>,
    %get3A_293 = arith.constant 32 : index
    %get3A_294 = tpu.vector_load %arg10[%get3A_293] {strides = array<i32>} : memref<512xi32, #tpu.memory_space<vmem>>, vector<16xi32>,
    %and3A_295 = arith.constant 127 : i32
    %and3A_296 = vector.broadcast %and3A_295 : i32 to vector<16xi32>
    %and3A_297 = arith.andi %get3A_294, %and3A_296 : vector<16xi32>
    %iota3A_298 = tpu.iota {dimensions = array<i32: 0>} : vector<16xi32>
    %add3A_299 = arith.constant 32 : i32
    %add3A_300 = vector.broadcast %add3A_299 : i32 to vector<16xi32>
    %add3A_301 = arith.addi %iota3A_298, %add3A_300 : vector<16xi32>
    %gather3A_302 = tpu.vector_load_idx %arg14[%add3A_301, %and3A_297] : memref<128x128xi32, #tpu.memory_space<vmem>>[vector<16xi32>, vector<16xi32>], vector<16xi32>,
    %shift_left3A_303 = arith.constant 16 : i32
    %shift_left3A_304 = vector.broadcast %shift_left3A_303 : i32 to vector<16xi32>
    %shift_left3A_305 = arith.shli %gather3A_302, %shift_left3A_304 : vector<16xi32>
    %bitcast3A_306 = vector.bitcast %shift_left3A_305 : vector<16xi32> to vector<16xf32>
    %swap3A_307 = arith.constant 32 : index
    %swap3A_308 = tpu.vector_load %arg16[%swap3A_307] {strides = array<i32>} : memref<512xf32, #tpu.memory_space<vmem>>, vector<16xf32>,
    tpu.vector_store %arg16[%swap3A_307], %bitcast3A_306 {strides = array<i32>} : memref<512xf32, #tpu.memory_space<vmem>>, vector<16xf32>,
    %and3A_309 = arith.constant -65536 : i32
    %and3A_310 = vector.broadcast %and3A_309 : i32 to vector<16xi32>
    %and3A_311 = arith.andi %gather3A_302, %and3A_310 : vector<16xi32>
    %bitcast3A_312 = vector.bitcast %and3A_311 : vector<16xi32> to vector<16xf32>
    %swap3A_313 = arith.constant 32 : index
    %swap3A_314 = tpu.vector_load %arg17[%swap3A_313] {strides = array<i32>} : memref<512xf32, #tpu.memory_space<vmem>>, vector<16xf32>,
    tpu.vector_store %arg17[%swap3A_313], %bitcast3A_312 {strides = array<i32>} : memref<512xf32, #tpu.memory_space<vmem>>, vector<16xf32>,
    %get3A_315 = arith.constant 48 : index
    %get3A_316 = tpu.vector_load %arg10[%get3A_315] {strides = array<i32>} : memref<512xi32, #tpu.memory_space<vmem>>, vector<16xi32>,
    %and3A_317 = arith.constant 127 : i32
    %and3A_318 = vector.broadcast %and3A_317 : i32 to vector<16xi32>
    %and3A_319 = arith.andi %get3A_316, %and3A_318 : vector<16xi32>
    %iota3A_320 = tpu.iota {dimensions = array<i32: 0>} : vector<16xi32>
    %add3A_321 = arith.constant 48 : i32
    %add3A_322 = vector.broadcast %add3A_321 : i32 to vector<16xi32>
    %add3A_323 = arith.addi %iota3A_320, %add3A_322 : vector<16xi32>
    %gather3A_324 = tpu.vector_load_idx %arg14[%add3A_323, %and3A_319] : memref<128x128xi32, #tpu.memory_space<vmem>>[vector<16xi32>, vector<16xi32>], vector<16xi32>,
    %shift_left3A_325 = arith.constant 16 : i32
    %shift_left3A_326 = vector.broadcast %shift_left3A_325 : i32 to vector<16xi32>
    %shift_left3A_327 = arith.shli %gather3A_324, %shift_left3A_326 : vector<16xi32>
    %bitcast3A_328 = vector.bitcast %shift_left3A_327 : vector<16xi32> to vector<16xf32>
    %swap3A_329 = arith.constant 48 : index
    %swap3A_330 = tpu.vector_load %arg16[%swap3A_329] {strides = array<i32>} : memref<512xf32, #tpu.memory_space<vmem>>, vector<16xf32>,
    tpu.vector_store %arg16[%swap3A_329], %bitcast3A_328 {strides = array<i32>} : memref<512xf32, #tpu.memory_space<vmem>>, vector<16xf32>,
    %and3A_331 = arith.constant -65536 : i32
    %and3A_332 = vector.broadcast %and3A_331 : i32 to vector<16xi32>
    %and3A_333 = arith.andi %gather3A_324, %and3A_332 : vector<16xi32>
    %bitcast3A_334 = vector.bitcast %and3A_333 : vector<16xi32> to vector<16xf32>
    %swap3A_335 = arith.constant 48 : index
    %swap3A_336 = tpu.vector_load %arg17[%swap3A_335] {strides = array<i32>} : memref<512xf32, #tpu.memory_space<vmem>>, vector<16xf32>,
    tpu.vector_store %arg17[%swap3A_335], %bitcast3A_334 {strides = array<i32>} : memref<512xf32, #tpu.memory_space<vmem>>, vector<16xf32>,
    %get3A_337 = arith.constant 64 : index
    %get3A_338 = tpu.vector_load %arg10[%get3A_337] {strides = array<i32>} : memref<512xi32, #tpu.memory_space<vmem>>, vector<16xi32>,
    %and3A_339 = arith.constant 127 : i32
    %and3A_340 = vector.broadcast %and3A_339 : i32 to vector<16xi32>
    %and3A_341 = arith.andi %get3A_338, %and3A_340 : vector<16xi32>
    %iota3A_342 = tpu.iota {dimensions = array<i32: 0>} : vector<16xi32>
    %add3A_343 = arith.constant 64 : i32
    %add3A_344 = vector.broadcast %add3A_343 : i32 to vector<16xi32>
    %add3A_345 = arith.addi %iota3A_342, %add3A_344 : vector<16xi32>
    %gather3A_346 = tpu.vector_load_idx %arg14[%add3A_345, %and3A_341] : memref<128x128xi32, #tpu.memory_space<vmem>>[vector<16xi32>, vector<16xi32>], vector<16xi32>,
    %shift_left3A_347 = arith.constant 16 : i32
    %shift_left3A_348 = vector.broadcast %shift_left3A_347 : i32 to vector<16xi32>
    %shift_left3A_349 = arith.shli %gather3A_346, %shift_left3A_348 : vector<16xi32>
    %bitcast3A_350 = vector.bitcast %shift_left3A_349 : vector<16xi32> to vector<16xf32>
    %swap3A_351 = arith.constant 64 : index
    %swap3A_352 = tpu.vector_load %arg16[%swap3A_351] {strides = array<i32>} : memref<512xf32, #tpu.memory_space<vmem>>, vector<16xf32>,
    tpu.vector_store %arg16[%swap3A_351], %bitcast3A_350 {strides = array<i32>} : memref<512xf32, #tpu.memory_space<vmem>>, vector<16xf32>,
    %and3A_353 = arith.constant -65536 : i32
    %and3A_354 = vector.broadcast %and3A_353 : i32 to vector<16xi32>
    %and3A_355 = arith.andi %gather3A_346, %and3A_354 : vector<16xi32>
    %bitcast3A_356 = vector.bitcast %and3A_355 : vector<16xi32> to vector<16xf32>
    %swap3A_357 = arith.constant 64 : index
    %swap3A_358 = tpu.vector_load %arg17[%swap3A_357] {strides = array<i32>} : memref<512xf32, #tpu.memory_space<vmem>>, vector<16xf32>,
    tpu.vector_store %arg17[%swap3A_357], %bitcast3A_356 {strides = array<i32>} : memref<512xf32, #tpu.memory_space<vmem>>, vector<16xf32>,
    %get3A_359 = arith.constant 80 : index
    %get3A_360 = tpu.vector_load %arg10[%get3A_359] {strides = array<i32>} : memref<512xi32, #tpu.memory_space<vmem>>, vector<16xi32>,
    %and3A_361 = arith.constant 127 : i32
    %and3A_362 = vector.broadcast %and3A_361 : i32 to vector<16xi32>
    %and3A_363 = arith.andi %get3A_360, %and3A_362 : vector<16xi32>
    %iota3A_364 = tpu.iota {dimensions = array<i32: 0>} : vector<16xi32>
    %add3A_365 = arith.constant 80 : i32
    %add3A_366 = vector.broadcast %add3A_365 : i32 to vector<16xi32>
    %add3A_367 = arith.addi %iota3A_364, %add3A_366 : vector<16xi32>
    %gather3A_368 = tpu.vector_load_idx %arg14[%add3A_367, %and3A_363] : memref<128x128xi32, #tpu.memory_space<vmem>>[vector<16xi32>, vector<16xi32>], vector<16xi32>,
    %shift_left3A_369 = arith.constant 16 : i32
    %shift_left3A_370 = vector.broadcast %shift_left3A_369 : i32 to vector<16xi32>
    %shift_left3A_371 = arith.shli %gather3A_368, %shift_left3A_370 : vector<16xi32>
    %bitcast3A_372 = vector.bitcast %shift_left3A_371 : vector<16xi32> to vector<16xf32>
    %swap3A_373 = arith.constant 80 : index
    %swap3A_374 = tpu.vector_load %arg16[%swap3A_373] {strides = array<i32>} : memref<512xf32, #tpu.memory_space<vmem>>, vector<16xf32>,
    tpu.vector_store %arg16[%swap3A_373], %bitcast3A_372 {strides = array<i32>} : memref<512xf32, #tpu.memory_space<vmem>>, vector<16xf32>,
    %and3A_375 = arith.constant -65536 : i32
    %and3A_376 = vector.broadcast %and3A_375 : i32 to vector<16xi32>
    %and3A_377 = arith.andi %gather3A_368, %and3A_376 : vector<16xi32>
    %bitcast3A_378 = vector.bitcast %and3A_377 : vector<16xi32> to vector<16xf32>
    %swap3A_379 = arith.constant 80 : index
    %swap3A_380 = tpu.vector_load %arg17[%swap3A_379] {strides = array<i32>} : memref<512xf32, #tpu.memory_space<vmem>>, vector<16xf32>,
    tpu.vector_store %arg17[%swap3A_379], %bitcast3A_378 {strides = array<i32>} : memref<512xf32, #tpu.memory_space<vmem>>, vector<16xf32>,
    %get3A_381 = arith.constant 96 : index
    %get3A_382 = tpu.vector_load %arg10[%get3A_381] {strides = array<i32>} : memref<512xi32, #tpu.memory_space<vmem>>, vector<16xi32>,
    %and3A_383 = arith.constant 127 : i32
    %and3A_384 = vector.broadcast %and3A_383 : i32 to vector<16xi32>
    %and3A_385 = arith.andi %get3A_382, %and3A_384 : vector<16xi32>
    %iota3A_386 = tpu.iota {dimensions = array<i32: 0>} : vector<16xi32>
    %add3A_387 = arith.constant 96 : i32
    %add3A_388 = vector.broadcast %add3A_387 : i32 to vector<16xi32>
    %add3A_389 = arith.addi %iota3A_386, %add3A_388 : vector<16xi32>
    %gather3A_390 = tpu.vector_load_idx %arg14[%add3A_389, %and3A_385] : memref<128x128xi32, #tpu.memory_space<vmem>>[vector<16xi32>, vector<16xi32>], vector<16xi32>,
    %shift_left3A_391 = arith.constant 16 : i32
    %shift_left3A_392 = vector.broadcast %shift_left3A_391 : i32 to vector<16xi32>
    %shift_left3A_393 = arith.shli %gather3A_390, %shift_left3A_392 : vector<16xi32>
    %bitcast3A_394 = vector.bitcast %shift_left3A_393 : vector<16xi32> to vector<16xf32>
    %swap3A_395 = arith.constant 96 : index
    %swap3A_396 = tpu.vector_load %arg16[%swap3A_395] {strides = array<i32>} : memref<512xf32, #tpu.memory_space<vmem>>, vector<16xf32>,
    tpu.vector_store %arg16[%swap3A_395], %bitcast3A_394 {strides = array<i32>} : memref<512xf32, #tpu.memory_space<vmem>>, vector<16xf32>,
    %and3A_397 = arith.constant -65536 : i32
    %and3A_398 = vector.broadcast %and3A_397 : i32 to vector<16xi32>
    %and3A_399 = arith.andi %gather3A_390, %and3A_398 : vector<16xi32>
    %bitcast3A_400 = vector.bitcast %and3A_399 : vector<16xi32> to vector<16xf32>
    %swap3A_401 = arith.constant 96 : index
    %swap3A_402 = tpu.vector_load %arg17[%swap3A_401] {strides = array<i32>} : memref<512xf32, #tpu.memory_space<vmem>>, vector<16xf32>,
    tpu.vector_store %arg17[%swap3A_401], %bitcast3A_400 {strides = array<i32>} : memref<512xf32, #tpu.memory_space<vmem>>, vector<16xf32>,
    %get3A_403 = arith.constant 112 : index
    %get3A_404 = tpu.vector_load %arg10[%get3A_403] {strides = array<i32>} : memref<512xi32, #tpu.memory_space<vmem>>, vector<16xi32>,
    %and3A_405 = arith.constant 127 : i32
    %and3A_406 = vector.broadcast %and3A_405 : i32 to vector<16xi32>
    %and3A_407 = arith.andi %get3A_404, %and3A_406 : vector<16xi32>
    %iota3A_408 = tpu.iota {dimensions = array<i32: 0>} : vector<16xi32>
    %add3A_409 = arith.constant 112 : i32
    %add3A_410 = vector.broadcast %add3A_409 : i32 to vector<16xi32>
    %add3A_411 = arith.addi %iota3A_408, %add3A_410 : vector<16xi32>
    %gather3A_412 = tpu.vector_load_idx %arg14[%add3A_411, %and3A_407] : memref<128x128xi32, #tpu.memory_space<vmem>>[vector<16xi32>, vector<16xi32>], vector<16xi32>,
    %shift_left3A_413 = arith.constant 16 : i32
    %shift_left3A_414 = vector.broadcast %shift_left3A_413 : i32 to vector<16xi32>
    %shift_left3A_415 = arith.shli %gather3A_412, %shift_left3A_414 : vector<16xi32>
    %bitcast3A_416 = vector.bitcast %shift_left3A_415 : vector<16xi32> to vector<16xf32>
    %swap3A_417 = arith.constant 112 : index
    %swap3A_418 = tpu.vector_load %arg16[%swap3A_417] {strides = array<i32>} : memref<512xf32, #tpu.memory_space<vmem>>, vector<16xf32>,
    tpu.vector_store %arg16[%swap3A_417], %bitcast3A_416 {strides = array<i32>} : memref<512xf32, #tpu.memory_space<vmem>>, vector<16xf32>,
    %and3A_419 = arith.constant -65536 : i32
    %and3A_420 = vector.broadcast %and3A_419 : i32 to vector<16xi32>
    %and3A_421 = arith.andi %gather3A_412, %and3A_420 : vector<16xi32>
    %bitcast3A_422 = vector.bitcast %and3A_421 : vector<16xi32> to vector<16xf32>
    %swap3A_423 = arith.constant 112 : index
    %swap3A_424 = tpu.vector_load %arg17[%swap3A_423] {strides = array<i32>} : memref<512xf32, #tpu.memory_space<vmem>>, vector<16xf32>,
    tpu.vector_store %arg17[%swap3A_423], %bitcast3A_422 {strides = array<i32>} : memref<512xf32, #tpu.memory_space<vmem>>, vector<16xf32>,
    %dma_start3A_425 = arith.constant 256 : i32
    %dma_start3A_426 = tpu.memref_slice %arg9[%dma_start3A_425] : memref<512xi32, #tpu.memory_space<vmem>> -> memref<128xi32, #tpu.memory_space<vmem>>
    %dma_start3A_427 = arith.constant 0 : i32
    %dma_start3A_428 = arith.constant 0 : i32
    %dma_start3A_429 = tpu.memref_slice %arg2[%dma_start3A_427, %dma_start3A_428] : memref<1000000x128xf32, #tpu.memory_space<hbm>> -> memref<1000000x128xf32, #tpu.memory_space<hbm>>
    tpu.enqueue_indirect_dma source(%dma_start3A_429 : memref<1000000x128xf32, #tpu.memory_space<hbm>>) target(%arg12 : memref<128x128xf32, #tpu.memory_space<vmem>>) offsets(%dma_start3A_426 : memref<128xi32, #tpu.memory_space<vmem>>) semaphore(%arg18 : memref<!tpu.dma_semaphore, #tpu.memory_space<semaphore_mem>>)
    %dma_start3A_430 = arith.constant 256 : i32
    %dma_start3A_431 = tpu.memref_slice %arg11[%dma_start3A_430] : memref<512xi32, #tpu.memory_space<vmem>> -> memref<128xi32, #tpu.memory_space<vmem>>
    %dma_start3A_432 = arith.constant 0 : i32
    %dma_start3A_433 = arith.constant 0 : i32
    %dma_start3A_434 = tpu.memref_slice %arg3[%dma_start3A_432, %dma_start3A_433] : memref<782x128xi32, #tpu.memory_space<hbm>> -> memref<782x128xi32, #tpu.memory_space<hbm>>
    tpu.enqueue_indirect_dma source(%dma_start3A_434 : memref<782x128xi32, #tpu.memory_space<hbm>>) target(%arg14 : memref<128x128xi32, #tpu.memory_space<vmem>>) offsets(%dma_start3A_431 : memref<128xi32, #tpu.memory_space<vmem>>) semaphore(%arg20 : memref<!tpu.dma_semaphore, #tpu.memory_space<semaphore_mem>>)
    %dma_wait3A_435 = arith.constant 128 : i32
    %dma_wait3A_436 = tpu.memref_slice %arg9[%dma_wait3A_435] : memref<512xi32, #tpu.memory_space<vmem>> -> memref<128xi32, #tpu.memory_space<vmem>>
    %dma_wait3A_437 = arith.constant 0 : i32
    %dma_wait3A_438 = arith.constant 0 : i32
    %dma_wait3A_439 = tpu.memref_slice %arg2[%dma_wait3A_437, %dma_wait3A_438] : memref<1000000x128xf32, #tpu.memory_space<hbm>> -> memref<1000000x128xf32, #tpu.memory_space<hbm>>
    tpu.wait_indirect_dma semaphore(%arg19 : memref<!tpu.dma_semaphore, #tpu.memory_space<semaphore_mem>>) src(%dma_wait3A_439 : memref<1000000x128xf32, #tpu.memory_space<hbm>>) dst(%arg13 : memref<128x128xf32, #tpu.memory_space<vmem>>)
    %add3A_440 = arith.constant 128 : i32
    %add3A_441 = arith.addi %mul3A_2, %add3A_440 : i32
    "tpu.region"() ({
      %run_scoped3A = tpu.sem_alloc : memref<!tpu.dma_semaphore, #tpu.memory_space<semaphore_mem>>
      %dma_start3A_1009 = arith.constant 0 : i32
      %dma_start3A_1010 = tpu.memref_slice %arg6[%add3A_441, %dma_start3A_1009] : memref<16384x128xf32, #tpu.memory_space<hbm>> -> memref<128x128xf32, #tpu.memory_space<hbm>>
      %dma_start3A_1011 = arith.constant 0 : i32
      %dma_start3A_1012 = tpu.memref_slice %arg6[%add3A_441, %dma_start3A_1011] : memref<16384x128xf32, #tpu.memory_space<hbm>> -> memref<128x128xf32, #tpu.memory_space<hbm>>
      tpu.enqueue_dma source(%arg13 : memref<128x128xf32, #tpu.memory_space<vmem>>) target(%dma_start3A_1012 : memref<128x128xf32, #tpu.memory_space<hbm>>) target_semaphore(%run_scoped3A : memref<!tpu.dma_semaphore, #tpu.memory_space<semaphore_mem>>)
      %dma_wait3A_1013 = arith.constant 0 : i32
      %dma_wait3A_1014 = tpu.memref_slice %arg6[%add3A_441, %dma_wait3A_1013] : memref<16384x128xf32, #tpu.memory_space<hbm>> -> memref<128x128xf32, #tpu.memory_space<hbm>>
      %dma_wait3A_1015 = arith.constant 0 : i32
      %dma_wait3A_1016 = tpu.memref_slice %arg6[%add3A_441, %dma_wait3A_1015] : memref<16384x128xf32, #tpu.memory_space<hbm>> -> memref<128x128xf32, #tpu.memory_space<hbm>>
      tpu.wait_dma2 semaphore(%run_scoped3A : memref<!tpu.dma_semaphore, #tpu.memory_space<semaphore_mem>>) src(%arg13 : memref<128x128xf32, #tpu.memory_space<vmem>>) dst(%dma_wait3A_1016 : memref<128x128xf32, #tpu.memory_space<hbm>>)
      tpu.yield
    }) : () -> ()
    %dma_wait3A_442 = arith.constant 128 : i32
    %dma_wait3A_443 = tpu.memref_slice %arg11[%dma_wait3A_442] : memref<512xi32, #tpu.memory_space<vmem>> -> memref<128xi32, #tpu.memory_space<vmem>>
    %dma_wait3A_444 = arith.constant 0 : i32
    %dma_wait3A_445 = arith.constant 0 : i32
    %dma_wait3A_446 = tpu.memref_slice %arg3[%dma_wait3A_444, %dma_wait3A_445] : memref<782x128xi32, #tpu.memory_space<hbm>> -> memref<782x128xi32, #tpu.memory_space<hbm>>
    tpu.wait_indirect_dma semaphore(%arg21 : memref<!tpu.dma_semaphore, #tpu.memory_space<semaphore_mem>>) src(%dma_wait3A_446 : memref<782x128xi32, #tpu.memory_space<hbm>>) dst(%arg15 : memref<128x128xi32, #tpu.memory_space<vmem>>)
    %get3A_447 = arith.constant 128 : index
    %get3A_448 = tpu.vector_load %arg10[%get3A_447] {strides = array<i32>} : memref<512xi32, #tpu.memory_space<vmem>>, vector<16xi32>,
    %and3A_449 = arith.constant 127 : i32
    %and3A_450 = vector.broadcast %and3A_449 : i32 to vector<16xi32>
    %and3A_451 = arith.andi %get3A_448, %and3A_450 : vector<16xi32>
    %iota3A_452 = tpu.iota {dimensions = array<i32: 0>} : vector<16xi32>
    %add3A_453 = arith.constant 0 : i32
    %add3A_454 = vector.broadcast %add3A_453 : i32 to vector<16xi32>
    %add3A_455 = arith.addi %iota3A_452, %add3A_454 : vector<16xi32>
    %gather3A_456 = tpu.vector_load_idx %arg15[%add3A_455, %and3A_451] : memref<128x128xi32, #tpu.memory_space<vmem>>[vector<16xi32>, vector<16xi32>], vector<16xi32>,
    %shift_left3A_457 = arith.constant 16 : i32
    %shift_left3A_458 = vector.broadcast %shift_left3A_457 : i32 to vector<16xi32>
    %shift_left3A_459 = arith.shli %gather3A_456, %shift_left3A_458 : vector<16xi32>
    %bitcast3A_460 = vector.bitcast %shift_left3A_459 : vector<16xi32> to vector<16xf32>
    %swap3A_461 = arith.constant 128 : index
    %swap3A_462 = tpu.vector_load %arg16[%swap3A_461] {strides = array<i32>} : memref<512xf32, #tpu.memory_space<vmem>>, vector<16xf32>,
    tpu.vector_store %arg16[%swap3A_461], %bitcast3A_460 {strides = array<i32>} : memref<512xf32, #tpu.memory_space<vmem>>, vector<16xf32>,
    %and3A_463 = arith.constant -65536 : i32
    %and3A_464 = vector.broadcast %and3A_463 : i32 to vector<16xi32>
    %and3A_465 = arith.andi %gather3A_456, %and3A_464 : vector<16xi32>
    %bitcast3A_466 = vector.bitcast %and3A_465 : vector<16xi32> to vector<16xf32>
    %swap3A_467 = arith.constant 128 : index
    %swap3A_468 = tpu.vector_load %arg17[%swap3A_467] {strides = array<i32>} : memref<512xf32, #tpu.memory_space<vmem>>, vector<16xf32>,
    tpu.vector_store %arg17[%swap3A_467], %bitcast3A_466 {strides = array<i32>} : memref<512xf32, #tpu.memory_space<vmem>>, vector<16xf32>,
    %get3A_469 = arith.constant 144 : index
    %get3A_470 = tpu.vector_load %arg10[%get3A_469] {strides = array<i32>} : memref<512xi32, #tpu.memory_space<vmem>>, vector<16xi32>,
    %and3A_471 = arith.constant 127 : i32
    %and3A_472 = vector.broadcast %and3A_471 : i32 to vector<16xi32>
    %and3A_473 = arith.andi %get3A_470, %and3A_472 : vector<16xi32>
    %iota3A_474 = tpu.iota {dimensions = array<i32: 0>} : vector<16xi32>
    %add3A_475 = arith.constant 16 : i32
    %add3A_476 = vector.broadcast %add3A_475 : i32 to vector<16xi32>
    %add3A_477 = arith.addi %iota3A_474, %add3A_476 : vector<16xi32>
    %gather3A_478 = tpu.vector_load_idx %arg15[%add3A_477, %and3A_473] : memref<128x128xi32, #tpu.memory_space<vmem>>[vector<16xi32>, vector<16xi32>], vector<16xi32>,
    %shift_left3A_479 = arith.constant 16 : i32
    %shift_left3A_480 = vector.broadcast %shift_left3A_479 : i32 to vector<16xi32>
    %shift_left3A_481 = arith.shli %gather3A_478, %shift_left3A_480 : vector<16xi32>
    %bitcast3A_482 = vector.bitcast %shift_left3A_481 : vector<16xi32> to vector<16xf32>
    %swap3A_483 = arith.constant 144 : index
    %swap3A_484 = tpu.vector_load %arg16[%swap3A_483] {strides = array<i32>} : memref<512xf32, #tpu.memory_space<vmem>>, vector<16xf32>,
    tpu.vector_store %arg16[%swap3A_483], %bitcast3A_482 {strides = array<i32>} : memref<512xf32, #tpu.memory_space<vmem>>, vector<16xf32>,
    %and3A_485 = arith.constant -65536 : i32
    %and3A_486 = vector.broadcast %and3A_485 : i32 to vector<16xi32>
    %and3A_487 = arith.andi %gather3A_478, %and3A_486 : vector<16xi32>
    %bitcast3A_488 = vector.bitcast %and3A_487 : vector<16xi32> to vector<16xf32>
    %swap3A_489 = arith.constant 144 : index
    %swap3A_490 = tpu.vector_load %arg17[%swap3A_489] {strides = array<i32>} : memref<512xf32, #tpu.memory_space<vmem>>, vector<16xf32>,
    tpu.vector_store %arg17[%swap3A_489], %bitcast3A_488 {strides = array<i32>} : memref<512xf32, #tpu.memory_space<vmem>>, vector<16xf32>,
    %get3A_491 = arith.constant 160 : index
    %get3A_492 = tpu.vector_load %arg10[%get3A_491] {strides = array<i32>} : memref<512xi32, #tpu.memory_space<vmem>>, vector<16xi32>,
    %and3A_493 = arith.constant 127 : i32
    %and3A_494 = vector.broadcast %and3A_493 : i32 to vector<16xi32>
    %and3A_495 = arith.andi %get3A_492, %and3A_494 : vector<16xi32>
    %iota3A_496 = tpu.iota {dimensions = array<i32: 0>} : vector<16xi32>
    %add3A_497 = arith.constant 32 : i32
    %add3A_498 = vector.broadcast %add3A_497 : i32 to vector<16xi32>
    %add3A_499 = arith.addi %iota3A_496, %add3A_498 : vector<16xi32>
    %gather3A_500 = tpu.vector_load_idx %arg15[%add3A_499, %and3A_495] : memref<128x128xi32, #tpu.memory_space<vmem>>[vector<16xi32>, vector<16xi32>], vector<16xi32>,
    %shift_left3A_501 = arith.constant 16 : i32
    %shift_left3A_502 = vector.broadcast %shift_left3A_501 : i32 to vector<16xi32>
    %shift_left3A_503 = arith.shli %gather3A_500, %shift_left3A_502 : vector<16xi32>
    %bitcast3A_504 = vector.bitcast %shift_left3A_503 : vector<16xi32> to vector<16xf32>
    %swap3A_505 = arith.constant 160 : index
    %swap3A_506 = tpu.vector_load %arg16[%swap3A_505] {strides = array<i32>} : memref<512xf32, #tpu.memory_space<vmem>>, vector<16xf32>,
    tpu.vector_store %arg16[%swap3A_505], %bitcast3A_504 {strides = array<i32>} : memref<512xf32, #tpu.memory_space<vmem>>, vector<16xf32>,
    %and3A_507 = arith.constant -65536 : i32
    %and3A_508 = vector.broadcast %and3A_507 : i32 to vector<16xi32>
    %and3A_509 = arith.andi %gather3A_500, %and3A_508 : vector<16xi32>
    %bitcast3A_510 = vector.bitcast %and3A_509 : vector<16xi32> to vector<16xf32>
    %swap3A_511 = arith.constant 160 : index
    %swap3A_512 = tpu.vector_load %arg17[%swap3A_511] {strides = array<i32>} : memref<512xf32, #tpu.memory_space<vmem>>, vector<16xf32>,
    tpu.vector_store %arg17[%swap3A_511], %bitcast3A_510 {strides = array<i32>} : memref<512xf32, #tpu.memory_space<vmem>>, vector<16xf32>,
    %get3A_513 = arith.constant 176 : index
    %get3A_514 = tpu.vector_load %arg10[%get3A_513] {strides = array<i32>} : memref<512xi32, #tpu.memory_space<vmem>>, vector<16xi32>,
    %and3A_515 = arith.constant 127 : i32
    %and3A_516 = vector.broadcast %and3A_515 : i32 to vector<16xi32>
    %and3A_517 = arith.andi %get3A_514, %and3A_516 : vector<16xi32>
    %iota3A_518 = tpu.iota {dimensions = array<i32: 0>} : vector<16xi32>
    %add3A_519 = arith.constant 48 : i32
    %add3A_520 = vector.broadcast %add3A_519 : i32 to vector<16xi32>
    %add3A_521 = arith.addi %iota3A_518, %add3A_520 : vector<16xi32>
    %gather3A_522 = tpu.vector_load_idx %arg15[%add3A_521, %and3A_517] : memref<128x128xi32, #tpu.memory_space<vmem>>[vector<16xi32>, vector<16xi32>], vector<16xi32>,
    %shift_left3A_523 = arith.constant 16 : i32
    %shift_left3A_524 = vector.broadcast %shift_left3A_523 : i32 to vector<16xi32>
    %shift_left3A_525 = arith.shli %gather3A_522, %shift_left3A_524 : vector<16xi32>
    %bitcast3A_526 = vector.bitcast %shift_left3A_525 : vector<16xi32> to vector<16xf32>
    %swap3A_527 = arith.constant 176 : index
    %swap3A_528 = tpu.vector_load %arg16[%swap3A_527] {strides = array<i32>} : memref<512xf32, #tpu.memory_space<vmem>>, vector<16xf32>,
    tpu.vector_store %arg16[%swap3A_527], %bitcast3A_526 {strides = array<i32>} : memref<512xf32, #tpu.memory_space<vmem>>, vector<16xf32>,
    %and3A_529 = arith.constant -65536 : i32
    %and3A_530 = vector.broadcast %and3A_529 : i32 to vector<16xi32>
    %and3A_531 = arith.andi %gather3A_522, %and3A_530 : vector<16xi32>
    %bitcast3A_532 = vector.bitcast %and3A_531 : vector<16xi32> to vector<16xf32>
    %swap3A_533 = arith.constant 176 : index
    %swap3A_534 = tpu.vector_load %arg17[%swap3A_533] {strides = array<i32>} : memref<512xf32, #tpu.memory_space<vmem>>, vector<16xf32>,
    tpu.vector_store %arg17[%swap3A_533], %bitcast3A_532 {strides = array<i32>} : memref<512xf32, #tpu.memory_space<vmem>>, vector<16xf32>,
    %get3A_535 = arith.constant 192 : index
    %get3A_536 = tpu.vector_load %arg10[%get3A_535] {strides = array<i32>} : memref<512xi32, #tpu.memory_space<vmem>>, vector<16xi32>,
    %and3A_537 = arith.constant 127 : i32
    %and3A_538 = vector.broadcast %and3A_537 : i32 to vector<16xi32>
    %and3A_539 = arith.andi %get3A_536, %and3A_538 : vector<16xi32>
    %iota3A_540 = tpu.iota {dimensions = array<i32: 0>} : vector<16xi32>
    %add3A_541 = arith.constant 64 : i32
    %add3A_542 = vector.broadcast %add3A_541 : i32 to vector<16xi32>
    %add3A_543 = arith.addi %iota3A_540, %add3A_542 : vector<16xi32>
    %gather3A_544 = tpu.vector_load_idx %arg15[%add3A_543, %and3A_539] : memref<128x128xi32, #tpu.memory_space<vmem>>[vector<16xi32>, vector<16xi32>], vector<16xi32>,
    %shift_left3A_545 = arith.constant 16 : i32
    %shift_left3A_546 = vector.broadcast %shift_left3A_545 : i32 to vector<16xi32>
    %shift_left3A_547 = arith.shli %gather3A_544, %shift_left3A_546 : vector<16xi32>
    %bitcast3A_548 = vector.bitcast %shift_left3A_547 : vector<16xi32> to vector<16xf32>
    %swap3A_549 = arith.constant 192 : index
    %swap3A_550 = tpu.vector_load %arg16[%swap3A_549] {strides = array<i32>} : memref<512xf32, #tpu.memory_space<vmem>>, vector<16xf32>,
    tpu.vector_store %arg16[%swap3A_549], %bitcast3A_548 {strides = array<i32>} : memref<512xf32, #tpu.memory_space<vmem>>, vector<16xf32>,
    %and3A_551 = arith.constant -65536 : i32
    %and3A_552 = vector.broadcast %and3A_551 : i32 to vector<16xi32>
    %and3A_553 = arith.andi %gather3A_544, %and3A_552 : vector<16xi32>
    %bitcast3A_554 = vector.bitcast %and3A_553 : vector<16xi32> to vector<16xf32>
    %swap3A_555 = arith.constant 192 : index
    %swap3A_556 = tpu.vector_load %arg17[%swap3A_555] {strides = array<i32>} : memref<512xf32, #tpu.memory_space<vmem>>, vector<16xf32>,
    tpu.vector_store %arg17[%swap3A_555], %bitcast3A_554 {strides = array<i32>} : memref<512xf32, #tpu.memory_space<vmem>>, vector<16xf32>,
    %get3A_557 = arith.constant 208 : index
    %get3A_558 = tpu.vector_load %arg10[%get3A_557] {strides = array<i32>} : memref<512xi32, #tpu.memory_space<vmem>>, vector<16xi32>,
    %and3A_559 = arith.constant 127 : i32
    %and3A_560 = vector.broadcast %and3A_559 : i32 to vector<16xi32>
    %and3A_561 = arith.andi %get3A_558, %and3A_560 : vector<16xi32>
    %iota3A_562 = tpu.iota {dimensions = array<i32: 0>} : vector<16xi32>
    %add3A_563 = arith.constant 80 : i32
    %add3A_564 = vector.broadcast %add3A_563 : i32 to vector<16xi32>
    %add3A_565 = arith.addi %iota3A_562, %add3A_564 : vector<16xi32>
    %gather3A_566 = tpu.vector_load_idx %arg15[%add3A_565, %and3A_561] : memref<128x128xi32, #tpu.memory_space<vmem>>[vector<16xi32>, vector<16xi32>], vector<16xi32>,
    %shift_left3A_567 = arith.constant 16 : i32
    %shift_left3A_568 = vector.broadcast %shift_left3A_567 : i32 to vector<16xi32>
    %shift_left3A_569 = arith.shli %gather3A_566, %shift_left3A_568 : vector<16xi32>
    %bitcast3A_570 = vector.bitcast %shift_left3A_569 : vector<16xi32> to vector<16xf32>
    %swap3A_571 = arith.constant 208 : index
    %swap3A_572 = tpu.vector_load %arg16[%swap3A_571] {strides = array<i32>} : memref<512xf32, #tpu.memory_space<vmem>>, vector<16xf32>,
    tpu.vector_store %arg16[%swap3A_571], %bitcast3A_570 {strides = array<i32>} : memref<512xf32, #tpu.memory_space<vmem>>, vector<16xf32>,
    %and3A_573 = arith.constant -65536 : i32
    %and3A_574 = vector.broadcast %and3A_573 : i32 to vector<16xi32>
    %and3A_575 = arith.andi %gather3A_566, %and3A_574 : vector<16xi32>
    %bitcast3A_576 = vector.bitcast %and3A_575 : vector<16xi32> to vector<16xf32>
    %swap3A_577 = arith.constant 208 : index
    %swap3A_578 = tpu.vector_load %arg17[%swap3A_577] {strides = array<i32>} : memref<512xf32, #tpu.memory_space<vmem>>, vector<16xf32>,
    tpu.vector_store %arg17[%swap3A_577], %bitcast3A_576 {strides = array<i32>} : memref<512xf32, #tpu.memory_space<vmem>>, vector<16xf32>,
    %get3A_579 = arith.constant 224 : index
    %get3A_580 = tpu.vector_load %arg10[%get3A_579] {strides = array<i32>} : memref<512xi32, #tpu.memory_space<vmem>>, vector<16xi32>,
    %and3A_581 = arith.constant 127 : i32
    %and3A_582 = vector.broadcast %and3A_581 : i32 to vector<16xi32>
    %and3A_583 = arith.andi %get3A_580, %and3A_582 : vector<16xi32>
    %iota3A_584 = tpu.iota {dimensions = array<i32: 0>} : vector<16xi32>
    %add3A_585 = arith.constant 96 : i32
    %add3A_586 = vector.broadcast %add3A_585 : i32 to vector<16xi32>
    %add3A_587 = arith.addi %iota3A_584, %add3A_586 : vector<16xi32>
    %gather3A_588 = tpu.vector_load_idx %arg15[%add3A_587, %and3A_583] : memref<128x128xi32, #tpu.memory_space<vmem>>[vector<16xi32>, vector<16xi32>], vector<16xi32>,
    %shift_left3A_589 = arith.constant 16 : i32
    %shift_left3A_590 = vector.broadcast %shift_left3A_589 : i32 to vector<16xi32>
    %shift_left3A_591 = arith.shli %gather3A_588, %shift_left3A_590 : vector<16xi32>
    %bitcast3A_592 = vector.bitcast %shift_left3A_591 : vector<16xi32> to vector<16xf32>
    %swap3A_593 = arith.constant 224 : index
    %swap3A_594 = tpu.vector_load %arg16[%swap3A_593] {strides = array<i32>} : memref<512xf32, #tpu.memory_space<vmem>>, vector<16xf32>,
    tpu.vector_store %arg16[%swap3A_593], %bitcast3A_592 {strides = array<i32>} : memref<512xf32, #tpu.memory_space<vmem>>, vector<16xf32>,
    %and3A_595 = arith.constant -65536 : i32
    %and3A_596 = vector.broadcast %and3A_595 : i32 to vector<16xi32>
    %and3A_597 = arith.andi %gather3A_588, %and3A_596 : vector<16xi32>
    %bitcast3A_598 = vector.bitcast %and3A_597 : vector<16xi32> to vector<16xf32>
    %swap3A_599 = arith.constant 224 : index
    %swap3A_600 = tpu.vector_load %arg17[%swap3A_599] {strides = array<i32>} : memref<512xf32, #tpu.memory_space<vmem>>, vector<16xf32>,
    tpu.vector_store %arg17[%swap3A_599], %bitcast3A_598 {strides = array<i32>} : memref<512xf32, #tpu.memory_space<vmem>>, vector<16xf32>,
    %get3A_601 = arith.constant 240 : index
    %get3A_602 = tpu.vector_load %arg10[%get3A_601] {strides = array<i32>} : memref<512xi32, #tpu.memory_space<vmem>>, vector<16xi32>,
    %and3A_603 = arith.constant 127 : i32
    %and3A_604 = vector.broadcast %and3A_603 : i32 to vector<16xi32>
    %and3A_605 = arith.andi %get3A_602, %and3A_604 : vector<16xi32>
    %iota3A_606 = tpu.iota {dimensions = array<i32: 0>} : vector<16xi32>
    %add3A_607 = arith.constant 112 : i32
    %add3A_608 = vector.broadcast %add3A_607 : i32 to vector<16xi32>
    %add3A_609 = arith.addi %iota3A_606, %add3A_608 : vector<16xi32>
    %gather3A_610 = tpu.vector_load_idx %arg15[%add3A_609, %and3A_605] : memref<128x128xi32, #tpu.memory_space<vmem>>[vector<16xi32>, vector<16xi32>], vector<16xi32>,
    %shift_left3A_611 = arith.constant 16 : i32
    %shift_left3A_612 = vector.broadcast %shift_left3A_611 : i32 to vector<16xi32>
    %shift_left3A_613 = arith.shli %gather3A_610, %shift_left3A_612 : vector<16xi32>
    %bitcast3A_614 = vector.bitcast %shift_left3A_613 : vector<16xi32> to vector<16xf32>
    %swap3A_615 = arith.constant 240 : index
    %swap3A_616 = tpu.vector_load %arg16[%swap3A_615] {strides = array<i32>} : memref<512xf32, #tpu.memory_space<vmem>>, vector<16xf32>,
    tpu.vector_store %arg16[%swap3A_615], %bitcast3A_614 {strides = array<i32>} : memref<512xf32, #tpu.memory_space<vmem>>, vector<16xf32>,
    %and3A_617 = arith.constant -65536 : i32
    %and3A_618 = vector.broadcast %and3A_617 : i32 to vector<16xi32>
    %and3A_619 = arith.andi %gather3A_610, %and3A_618 : vector<16xi32>
    %bitcast3A_620 = vector.bitcast %and3A_619 : vector<16xi32> to vector<16xf32>
    %swap3A_621 = arith.constant 240 : index
    %swap3A_622 = tpu.vector_load %arg17[%swap3A_621] {strides = array<i32>} : memref<512xf32, #tpu.memory_space<vmem>>, vector<16xf32>,
    tpu.vector_store %arg17[%swap3A_621], %bitcast3A_620 {strides = array<i32>} : memref<512xf32, #tpu.memory_space<vmem>>, vector<16xf32>,
    %dma_start3A_623 = arith.constant 384 : i32
    %dma_start3A_624 = tpu.memref_slice %arg9[%dma_start3A_623] : memref<512xi32, #tpu.memory_space<vmem>> -> memref<128xi32, #tpu.memory_space<vmem>>
    %dma_start3A_625 = arith.constant 0 : i32
    %dma_start3A_626 = arith.constant 0 : i32
    %dma_start3A_627 = tpu.memref_slice %arg2[%dma_start3A_625, %dma_start3A_626] : memref<1000000x128xf32, #tpu.memory_space<hbm>> -> memref<1000000x128xf32, #tpu.memory_space<hbm>>
    tpu.enqueue_indirect_dma source(%dma_start3A_627 : memref<1000000x128xf32, #tpu.memory_space<hbm>>) target(%arg13 : memref<128x128xf32, #tpu.memory_space<vmem>>) offsets(%dma_start3A_624 : memref<128xi32, #tpu.memory_space<vmem>>) semaphore(%arg19 : memref<!tpu.dma_semaphore, #tpu.memory_space<semaphore_mem>>)
    %dma_start3A_628 = arith.constant 384 : i32
    %dma_start3A_629 = tpu.memref_slice %arg11[%dma_start3A_628] : memref<512xi32, #tpu.memory_space<vmem>> -> memref<128xi32, #tpu.memory_space<vmem>>
    %dma_start3A_630 = arith.constant 0 : i32
    %dma_start3A_631 = arith.constant 0 : i32
    %dma_start3A_632 = tpu.memref_slice %arg3[%dma_start3A_630, %dma_start3A_631] : memref<782x128xi32, #tpu.memory_space<hbm>> -> memref<782x128xi32, #tpu.memory_space<hbm>>
    tpu.enqueue_indirect_dma source(%dma_start3A_632 : memref<782x128xi32, #tpu.memory_space<hbm>>) target(%arg15 : memref<128x128xi32, #tpu.memory_space<vmem>>) offsets(%dma_start3A_629 : memref<128xi32, #tpu.memory_space<vmem>>) semaphore(%arg21 : memref<!tpu.dma_semaphore, #tpu.memory_space<semaphore_mem>>)
    %dma_wait3A_633 = arith.constant 256 : i32
    %dma_wait3A_634 = tpu.memref_slice %arg9[%dma_wait3A_633] : memref<512xi32, #tpu.memory_space<vmem>> -> memref<128xi32, #tpu.memory_space<vmem>>
    %dma_wait3A_635 = arith.constant 0 : i32
    %dma_wait3A_636 = arith.constant 0 : i32
    %dma_wait3A_637 = tpu.memref_slice %arg2[%dma_wait3A_635, %dma_wait3A_636] : memref<1000000x128xf32, #tpu.memory_space<hbm>> -> memref<1000000x128xf32, #tpu.memory_space<hbm>>
    tpu.wait_indirect_dma semaphore(%arg18 : memref<!tpu.dma_semaphore, #tpu.memory_space<semaphore_mem>>) src(%dma_wait3A_637 : memref<1000000x128xf32, #tpu.memory_space<hbm>>) dst(%arg12 : memref<128x128xf32, #tpu.memory_space<vmem>>)
    %add3A_638 = arith.constant 256 : i32
    %add3A_639 = arith.addi %mul3A_2, %add3A_638 : i32
    "tpu.region"() ({
      %run_scoped3A = tpu.sem_alloc : memref<!tpu.dma_semaphore, #tpu.memory_space<semaphore_mem>>
      %dma_start3A_1009 = arith.constant 0 : i32
      %dma_start3A_1010 = tpu.memref_slice %arg6[%add3A_639, %dma_start3A_1009] : memref<16384x128xf32, #tpu.memory_space<hbm>> -> memref<128x128xf32, #tpu.memory_space<hbm>>
      %dma_start3A_1011 = arith.constant 0 : i32
      %dma_start3A_1012 = tpu.memref_slice %arg6[%add3A_639, %dma_start3A_1011] : memref<16384x128xf32, #tpu.memory_space<hbm>> -> memref<128x128xf32, #tpu.memory_space<hbm>>
      tpu.enqueue_dma source(%arg12 : memref<128x128xf32, #tpu.memory_space<vmem>>) target(%dma_start3A_1012 : memref<128x128xf32, #tpu.memory_space<hbm>>) target_semaphore(%run_scoped3A : memref<!tpu.dma_semaphore, #tpu.memory_space<semaphore_mem>>)
      %dma_wait3A_1013 = arith.constant 0 : i32
      %dma_wait3A_1014 = tpu.memref_slice %arg6[%add3A_639, %dma_wait3A_1013] : memref<16384x128xf32, #tpu.memory_space<hbm>> -> memref<128x128xf32, #tpu.memory_space<hbm>>
      %dma_wait3A_1015 = arith.constant 0 : i32
      %dma_wait3A_1016 = tpu.memref_slice %arg6[%add3A_639, %dma_wait3A_1015] : memref<16384x128xf32, #tpu.memory_space<hbm>> -> memref<128x128xf32, #tpu.memory_space<hbm>>
      tpu.wait_dma2 semaphore(%run_scoped3A : memref<!tpu.dma_semaphore, #tpu.memory_space<semaphore_mem>>) src(%arg12 : memref<128x128xf32, #tpu.memory_space<vmem>>) dst(%dma_wait3A_1016 : memref<128x128xf32, #tpu.memory_space<hbm>>)
      tpu.yield
    }) : () -> ()
    %dma_wait3A_640 = arith.constant 256 : i32
    %dma_wait3A_641 = tpu.memref_slice %arg11[%dma_wait3A_640] : memref<512xi32, #tpu.memory_space<vmem>> -> memref<128xi32, #tpu.memory_space<vmem>>
    %dma_wait3A_642 = arith.constant 0 : i32
    %dma_wait3A_643 = arith.constant 0 : i32
    %dma_wait3A_644 = tpu.memref_slice %arg3[%dma_wait3A_642, %dma_wait3A_643] : memref<782x128xi32, #tpu.memory_space<hbm>> -> memref<782x128xi32, #tpu.memory_space<hbm>>
    tpu.wait_indirect_dma semaphore(%arg20 : memref<!tpu.dma_semaphore, #tpu.memory_space<semaphore_mem>>) src(%dma_wait3A_644 : memref<782x128xi32, #tpu.memory_space<hbm>>) dst(%arg14 : memref<128x128xi32, #tpu.memory_space<vmem>>)
    %get3A_645 = arith.constant 256 : index
    %get3A_646 = tpu.vector_load %arg10[%get3A_645] {strides = array<i32>} : memref<512xi32, #tpu.memory_space<vmem>>, vector<16xi32>,
    %and3A_647 = arith.constant 127 : i32
    %and3A_648 = vector.broadcast %and3A_647 : i32 to vector<16xi32>
    %and3A_649 = arith.andi %get3A_646, %and3A_648 : vector<16xi32>
    %iota3A_650 = tpu.iota {dimensions = array<i32: 0>} : vector<16xi32>
    %add3A_651 = arith.constant 0 : i32
    %add3A_652 = vector.broadcast %add3A_651 : i32 to vector<16xi32>
    %add3A_653 = arith.addi %iota3A_650, %add3A_652 : vector<16xi32>
    %gather3A_654 = tpu.vector_load_idx %arg14[%add3A_653, %and3A_649] : memref<128x128xi32, #tpu.memory_space<vmem>>[vector<16xi32>, vector<16xi32>], vector<16xi32>,
    %shift_left3A_655 = arith.constant 16 : i32
    %shift_left3A_656 = vector.broadcast %shift_left3A_655 : i32 to vector<16xi32>
    %shift_left3A_657 = arith.shli %gather3A_654, %shift_left3A_656 : vector<16xi32>
    %bitcast3A_658 = vector.bitcast %shift_left3A_657 : vector<16xi32> to vector<16xf32>
    %swap3A_659 = arith.constant 256 : index
    %swap3A_660 = tpu.vector_load %arg16[%swap3A_659] {strides = array<i32>} : memref<512xf32, #tpu.memory_space<vmem>>, vector<16xf32>,
    tpu.vector_store %arg16[%swap3A_659], %bitcast3A_658 {strides = array<i32>} : memref<512xf32, #tpu.memory_space<vmem>>, vector<16xf32>,
    %and3A_661 = arith.constant -65536 : i32
    %and3A_662 = vector.broadcast %and3A_661 : i32 to vector<16xi32>
    %and3A_663 = arith.andi %gather3A_654, %and3A_662 : vector<16xi32>
    %bitcast3A_664 = vector.bitcast %and3A_663 : vector<16xi32> to vector<16xf32>
    %swap3A_665 = arith.constant 256 : index
    %swap3A_666 = tpu.vector_load %arg17[%swap3A_665] {strides = array<i32>} : memref<512xf32, #tpu.memory_space<vmem>>, vector<16xf32>,
    tpu.vector_store %arg17[%swap3A_665], %bitcast3A_664 {strides = array<i32>} : memref<512xf32, #tpu.memory_space<vmem>>, vector<16xf32>,
    %get3A_667 = arith.constant 272 : index
    %get3A_668 = tpu.vector_load %arg10[%get3A_667] {strides = array<i32>} : memref<512xi32, #tpu.memory_space<vmem>>, vector<16xi32>,
    %and3A_669 = arith.constant 127 : i32
    %and3A_670 = vector.broadcast %and3A_669 : i32 to vector<16xi32>
    %and3A_671 = arith.andi %get3A_668, %and3A_670 : vector<16xi32>
    %iota3A_672 = tpu.iota {dimensions = array<i32: 0>} : vector<16xi32>
    %add3A_673 = arith.constant 16 : i32
    %add3A_674 = vector.broadcast %add3A_673 : i32 to vector<16xi32>
    %add3A_675 = arith.addi %iota3A_672, %add3A_674 : vector<16xi32>
    %gather3A_676 = tpu.vector_load_idx %arg14[%add3A_675, %and3A_671] : memref<128x128xi32, #tpu.memory_space<vmem>>[vector<16xi32>, vector<16xi32>], vector<16xi32>,
    %shift_left3A_677 = arith.constant 16 : i32
    %shift_left3A_678 = vector.broadcast %shift_left3A_677 : i32 to vector<16xi32>
    %shift_left3A_679 = arith.shli %gather3A_676, %shift_left3A_678 : vector<16xi32>
    %bitcast3A_680 = vector.bitcast %shift_left3A_679 : vector<16xi32> to vector<16xf32>
    %swap3A_681 = arith.constant 272 : index
    %swap3A_682 = tpu.vector_load %arg16[%swap3A_681] {strides = array<i32>} : memref<512xf32, #tpu.memory_space<vmem>>, vector<16xf32>,
    tpu.vector_store %arg16[%swap3A_681], %bitcast3A_680 {strides = array<i32>} : memref<512xf32, #tpu.memory_space<vmem>>, vector<16xf32>,
    %and3A_683 = arith.constant -65536 : i32
    %and3A_684 = vector.broadcast %and3A_683 : i32 to vector<16xi32>
    %and3A_685 = arith.andi %gather3A_676, %and3A_684 : vector<16xi32>
    %bitcast3A_686 = vector.bitcast %and3A_685 : vector<16xi32> to vector<16xf32>
    %swap3A_687 = arith.constant 272 : index
    %swap3A_688 = tpu.vector_load %arg17[%swap3A_687] {strides = array<i32>} : memref<512xf32, #tpu.memory_space<vmem>>, vector<16xf32>,
    tpu.vector_store %arg17[%swap3A_687], %bitcast3A_686 {strides = array<i32>} : memref<512xf32, #tpu.memory_space<vmem>>, vector<16xf32>,
    %get3A_689 = arith.constant 288 : index
    %get3A_690 = tpu.vector_load %arg10[%get3A_689] {strides = array<i32>} : memref<512xi32, #tpu.memory_space<vmem>>, vector<16xi32>,
    %and3A_691 = arith.constant 127 : i32
    %and3A_692 = vector.broadcast %and3A_691 : i32 to vector<16xi32>
    %and3A_693 = arith.andi %get3A_690, %and3A_692 : vector<16xi32>
    %iota3A_694 = tpu.iota {dimensions = array<i32: 0>} : vector<16xi32>
    %add3A_695 = arith.constant 32 : i32
    %add3A_696 = vector.broadcast %add3A_695 : i32 to vector<16xi32>
    %add3A_697 = arith.addi %iota3A_694, %add3A_696 : vector<16xi32>
    %gather3A_698 = tpu.vector_load_idx %arg14[%add3A_697, %and3A_693] : memref<128x128xi32, #tpu.memory_space<vmem>>[vector<16xi32>, vector<16xi32>], vector<16xi32>,
    %shift_left3A_699 = arith.constant 16 : i32
    %shift_left3A_700 = vector.broadcast %shift_left3A_699 : i32 to vector<16xi32>
    %shift_left3A_701 = arith.shli %gather3A_698, %shift_left3A_700 : vector<16xi32>
    %bitcast3A_702 = vector.bitcast %shift_left3A_701 : vector<16xi32> to vector<16xf32>
    %swap3A_703 = arith.constant 288 : index
    %swap3A_704 = tpu.vector_load %arg16[%swap3A_703] {strides = array<i32>} : memref<512xf32, #tpu.memory_space<vmem>>, vector<16xf32>,
    tpu.vector_store %arg16[%swap3A_703], %bitcast3A_702 {strides = array<i32>} : memref<512xf32, #tpu.memory_space<vmem>>, vector<16xf32>,
    %and3A_705 = arith.constant -65536 : i32
    %and3A_706 = vector.broadcast %and3A_705 : i32 to vector<16xi32>
    %and3A_707 = arith.andi %gather3A_698, %and3A_706 : vector<16xi32>
    %bitcast3A_708 = vector.bitcast %and3A_707 : vector<16xi32> to vector<16xf32>
    %swap3A_709 = arith.constant 288 : index
    %swap3A_710 = tpu.vector_load %arg17[%swap3A_709] {strides = array<i32>} : memref<512xf32, #tpu.memory_space<vmem>>, vector<16xf32>,
    tpu.vector_store %arg17[%swap3A_709], %bitcast3A_708 {strides = array<i32>} : memref<512xf32, #tpu.memory_space<vmem>>, vector<16xf32>,
    %get3A_711 = arith.constant 304 : index
    %get3A_712 = tpu.vector_load %arg10[%get3A_711] {strides = array<i32>} : memref<512xi32, #tpu.memory_space<vmem>>, vector<16xi32>,
    %and3A_713 = arith.constant 127 : i32
    %and3A_714 = vector.broadcast %and3A_713 : i32 to vector<16xi32>
    %and3A_715 = arith.andi %get3A_712, %and3A_714 : vector<16xi32>
    %iota3A_716 = tpu.iota {dimensions = array<i32: 0>} : vector<16xi32>
    %add3A_717 = arith.constant 48 : i32
    %add3A_718 = vector.broadcast %add3A_717 : i32 to vector<16xi32>
    %add3A_719 = arith.addi %iota3A_716, %add3A_718 : vector<16xi32>
    %gather3A_720 = tpu.vector_load_idx %arg14[%add3A_719, %and3A_715] : memref<128x128xi32, #tpu.memory_space<vmem>>[vector<16xi32>, vector<16xi32>], vector<16xi32>,
    %shift_left3A_721 = arith.constant 16 : i32
    %shift_left3A_722 = vector.broadcast %shift_left3A_721 : i32 to vector<16xi32>
    %shift_left3A_723 = arith.shli %gather3A_720, %shift_left3A_722 : vector<16xi32>
    %bitcast3A_724 = vector.bitcast %shift_left3A_723 : vector<16xi32> to vector<16xf32>
    %swap3A_725 = arith.constant 304 : index
    %swap3A_726 = tpu.vector_load %arg16[%swap3A_725] {strides = array<i32>} : memref<512xf32, #tpu.memory_space<vmem>>, vector<16xf32>,
    tpu.vector_store %arg16[%swap3A_725], %bitcast3A_724 {strides = array<i32>} : memref<512xf32, #tpu.memory_space<vmem>>, vector<16xf32>,
    %and3A_727 = arith.constant -65536 : i32
    %and3A_728 = vector.broadcast %and3A_727 : i32 to vector<16xi32>
    %and3A_729 = arith.andi %gather3A_720, %and3A_728 : vector<16xi32>
    %bitcast3A_730 = vector.bitcast %and3A_729 : vector<16xi32> to vector<16xf32>
    %swap3A_731 = arith.constant 304 : index
    %swap3A_732 = tpu.vector_load %arg17[%swap3A_731] {strides = array<i32>} : memref<512xf32, #tpu.memory_space<vmem>>, vector<16xf32>,
    tpu.vector_store %arg17[%swap3A_731], %bitcast3A_730 {strides = array<i32>} : memref<512xf32, #tpu.memory_space<vmem>>, vector<16xf32>,
    %get3A_733 = arith.constant 320 : index
    %get3A_734 = tpu.vector_load %arg10[%get3A_733] {strides = array<i32>} : memref<512xi32, #tpu.memory_space<vmem>>, vector<16xi32>,
    %and3A_735 = arith.constant 127 : i32
    %and3A_736 = vector.broadcast %and3A_735 : i32 to vector<16xi32>
    %and3A_737 = arith.andi %get3A_734, %and3A_736 : vector<16xi32>
    %iota3A_738 = tpu.iota {dimensions = array<i32: 0>} : vector<16xi32>
    %add3A_739 = arith.constant 64 : i32
    %add3A_740 = vector.broadcast %add3A_739 : i32 to vector<16xi32>
    %add3A_741 = arith.addi %iota3A_738, %add3A_740 : vector<16xi32>
    %gather3A_742 = tpu.vector_load_idx %arg14[%add3A_741, %and3A_737] : memref<128x128xi32, #tpu.memory_space<vmem>>[vector<16xi32>, vector<16xi32>], vector<16xi32>,
    %shift_left3A_743 = arith.constant 16 : i32
    %shift_left3A_744 = vector.broadcast %shift_left3A_743 : i32 to vector<16xi32>
    %shift_left3A_745 = arith.shli %gather3A_742, %shift_left3A_744 : vector<16xi32>
    %bitcast3A_746 = vector.bitcast %shift_left3A_745 : vector<16xi32> to vector<16xf32>
    %swap3A_747 = arith.constant 320 : index
    %swap3A_748 = tpu.vector_load %arg16[%swap3A_747] {strides = array<i32>} : memref<512xf32, #tpu.memory_space<vmem>>, vector<16xf32>,
    tpu.vector_store %arg16[%swap3A_747], %bitcast3A_746 {strides = array<i32>} : memref<512xf32, #tpu.memory_space<vmem>>, vector<16xf32>,
    %and3A_749 = arith.constant -65536 : i32
    %and3A_750 = vector.broadcast %and3A_749 : i32 to vector<16xi32>
    %and3A_751 = arith.andi %gather3A_742, %and3A_750 : vector<16xi32>
    %bitcast3A_752 = vector.bitcast %and3A_751 : vector<16xi32> to vector<16xf32>
    %swap3A_753 = arith.constant 320 : index
    %swap3A_754 = tpu.vector_load %arg17[%swap3A_753] {strides = array<i32>} : memref<512xf32, #tpu.memory_space<vmem>>, vector<16xf32>,
    tpu.vector_store %arg17[%swap3A_753], %bitcast3A_752 {strides = array<i32>} : memref<512xf32, #tpu.memory_space<vmem>>, vector<16xf32>,
    %get3A_755 = arith.constant 336 : index
    %get3A_756 = tpu.vector_load %arg10[%get3A_755] {strides = array<i32>} : memref<512xi32, #tpu.memory_space<vmem>>, vector<16xi32>,
    %and3A_757 = arith.constant 127 : i32
    %and3A_758 = vector.broadcast %and3A_757 : i32 to vector<16xi32>
    %and3A_759 = arith.andi %get3A_756, %and3A_758 : vector<16xi32>
    %iota3A_760 = tpu.iota {dimensions = array<i32: 0>} : vector<16xi32>
    %add3A_761 = arith.constant 80 : i32
    %add3A_762 = vector.broadcast %add3A_761 : i32 to vector<16xi32>
    %add3A_763 = arith.addi %iota3A_760, %add3A_762 : vector<16xi32>
    %gather3A_764 = tpu.vector_load_idx %arg14[%add3A_763, %and3A_759] : memref<128x128xi32, #tpu.memory_space<vmem>>[vector<16xi32>, vector<16xi32>], vector<16xi32>,
    %shift_left3A_765 = arith.constant 16 : i32
    %shift_left3A_766 = vector.broadcast %shift_left3A_765 : i32 to vector<16xi32>
    %shift_left3A_767 = arith.shli %gather3A_764, %shift_left3A_766 : vector<16xi32>
    %bitcast3A_768 = vector.bitcast %shift_left3A_767 : vector<16xi32> to vector<16xf32>
    %swap3A_769 = arith.constant 336 : index
    %swap3A_770 = tpu.vector_load %arg16[%swap3A_769] {strides = array<i32>} : memref<512xf32, #tpu.memory_space<vmem>>, vector<16xf32>,
    tpu.vector_store %arg16[%swap3A_769], %bitcast3A_768 {strides = array<i32>} : memref<512xf32, #tpu.memory_space<vmem>>, vector<16xf32>,
    %and3A_771 = arith.constant -65536 : i32
    %and3A_772 = vector.broadcast %and3A_771 : i32 to vector<16xi32>
    %and3A_773 = arith.andi %gather3A_764, %and3A_772 : vector<16xi32>
    %bitcast3A_774 = vector.bitcast %and3A_773 : vector<16xi32> to vector<16xf32>
    %swap3A_775 = arith.constant 336 : index
    %swap3A_776 = tpu.vector_load %arg17[%swap3A_775] {strides = array<i32>} : memref<512xf32, #tpu.memory_space<vmem>>, vector<16xf32>,
    tpu.vector_store %arg17[%swap3A_775], %bitcast3A_774 {strides = array<i32>} : memref<512xf32, #tpu.memory_space<vmem>>, vector<16xf32>,
    %get3A_777 = arith.constant 352 : index
    %get3A_778 = tpu.vector_load %arg10[%get3A_777] {strides = array<i32>} : memref<512xi32, #tpu.memory_space<vmem>>, vector<16xi32>,
    %and3A_779 = arith.constant 127 : i32
    %and3A_780 = vector.broadcast %and3A_779 : i32 to vector<16xi32>
    %and3A_781 = arith.andi %get3A_778, %and3A_780 : vector<16xi32>
    %iota3A_782 = tpu.iota {dimensions = array<i32: 0>} : vector<16xi32>
    %add3A_783 = arith.constant 96 : i32
    %add3A_784 = vector.broadcast %add3A_783 : i32 to vector<16xi32>
    %add3A_785 = arith.addi %iota3A_782, %add3A_784 : vector<16xi32>
    %gather3A_786 = tpu.vector_load_idx %arg14[%add3A_785, %and3A_781] : memref<128x128xi32, #tpu.memory_space<vmem>>[vector<16xi32>, vector<16xi32>], vector<16xi32>,
    %shift_left3A_787 = arith.constant 16 : i32
    %shift_left3A_788 = vector.broadcast %shift_left3A_787 : i32 to vector<16xi32>
    %shift_left3A_789 = arith.shli %gather3A_786, %shift_left3A_788 : vector<16xi32>
    %bitcast3A_790 = vector.bitcast %shift_left3A_789 : vector<16xi32> to vector<16xf32>
    %swap3A_791 = arith.constant 352 : index
    %swap3A_792 = tpu.vector_load %arg16[%swap3A_791] {strides = array<i32>} : memref<512xf32, #tpu.memory_space<vmem>>, vector<16xf32>,
    tpu.vector_store %arg16[%swap3A_791], %bitcast3A_790 {strides = array<i32>} : memref<512xf32, #tpu.memory_space<vmem>>, vector<16xf32>,
    %and3A_793 = arith.constant -65536 : i32
    %and3A_794 = vector.broadcast %and3A_793 : i32 to vector<16xi32>
    %and3A_795 = arith.andi %gather3A_786, %and3A_794 : vector<16xi32>
    %bitcast3A_796 = vector.bitcast %and3A_795 : vector<16xi32> to vector<16xf32>
    %swap3A_797 = arith.constant 352 : index
    %swap3A_798 = tpu.vector_load %arg17[%swap3A_797] {strides = array<i32>} : memref<512xf32, #tpu.memory_space<vmem>>, vector<16xf32>,
    tpu.vector_store %arg17[%swap3A_797], %bitcast3A_796 {strides = array<i32>} : memref<512xf32, #tpu.memory_space<vmem>>, vector<16xf32>,
    %get3A_799 = arith.constant 368 : index
    %get3A_800 = tpu.vector_load %arg10[%get3A_799] {strides = array<i32>} : memref<512xi32, #tpu.memory_space<vmem>>, vector<16xi32>,
    %and3A_801 = arith.constant 127 : i32
    %and3A_802 = vector.broadcast %and3A_801 : i32 to vector<16xi32>
    %and3A_803 = arith.andi %get3A_800, %and3A_802 : vector<16xi32>
    %iota3A_804 = tpu.iota {dimensions = array<i32: 0>} : vector<16xi32>
    %add3A_805 = arith.constant 112 : i32
    %add3A_806 = vector.broadcast %add3A_805 : i32 to vector<16xi32>
    %add3A_807 = arith.addi %iota3A_804, %add3A_806 : vector<16xi32>
    %gather3A_808 = tpu.vector_load_idx %arg14[%add3A_807, %and3A_803] : memref<128x128xi32, #tpu.memory_space<vmem>>[vector<16xi32>, vector<16xi32>], vector<16xi32>,
    %shift_left3A_809 = arith.constant 16 : i32
    %shift_left3A_810 = vector.broadcast %shift_left3A_809 : i32 to vector<16xi32>
    %shift_left3A_811 = arith.shli %gather3A_808, %shift_left3A_810 : vector<16xi32>
    %bitcast3A_812 = vector.bitcast %shift_left3A_811 : vector<16xi32> to vector<16xf32>
    %swap3A_813 = arith.constant 368 : index
    %swap3A_814 = tpu.vector_load %arg16[%swap3A_813] {strides = array<i32>} : memref<512xf32, #tpu.memory_space<vmem>>, vector<16xf32>,
    tpu.vector_store %arg16[%swap3A_813], %bitcast3A_812 {strides = array<i32>} : memref<512xf32, #tpu.memory_space<vmem>>, vector<16xf32>,
    %and3A_815 = arith.constant -65536 : i32
    %and3A_816 = vector.broadcast %and3A_815 : i32 to vector<16xi32>
    %and3A_817 = arith.andi %gather3A_808, %and3A_816 : vector<16xi32>
    %bitcast3A_818 = vector.bitcast %and3A_817 : vector<16xi32> to vector<16xf32>
    %swap3A_819 = arith.constant 368 : index
    %swap3A_820 = tpu.vector_load %arg17[%swap3A_819] {strides = array<i32>} : memref<512xf32, #tpu.memory_space<vmem>>, vector<16xf32>,
    tpu.vector_store %arg17[%swap3A_819], %bitcast3A_818 {strides = array<i32>} : memref<512xf32, #tpu.memory_space<vmem>>, vector<16xf32>,
    %dma_wait3A_821 = arith.constant 384 : i32
    %dma_wait3A_822 = tpu.memref_slice %arg9[%dma_wait3A_821] : memref<512xi32, #tpu.memory_space<vmem>> -> memref<128xi32, #tpu.memory_space<vmem>>
    %dma_wait3A_823 = arith.constant 0 : i32
    %dma_wait3A_824 = arith.constant 0 : i32
    %dma_wait3A_825 = tpu.memref_slice %arg2[%dma_wait3A_823, %dma_wait3A_824] : memref<1000000x128xf32, #tpu.memory_space<hbm>> -> memref<1000000x128xf32, #tpu.memory_space<hbm>>
    tpu.wait_indirect_dma semaphore(%arg19 : memref<!tpu.dma_semaphore, #tpu.memory_space<semaphore_mem>>) src(%dma_wait3A_825 : memref<1000000x128xf32, #tpu.memory_space<hbm>>) dst(%arg13 : memref<128x128xf32, #tpu.memory_space<vmem>>)
    %add3A_826 = arith.constant 384 : i32
    %add3A_827 = arith.addi %mul3A_2, %add3A_826 : i32
    "tpu.region"() ({
      %run_scoped3A = tpu.sem_alloc : memref<!tpu.dma_semaphore, #tpu.memory_space<semaphore_mem>>
      %dma_start3A_1009 = arith.constant 0 : i32
      %dma_start3A_1010 = tpu.memref_slice %arg6[%add3A_827, %dma_start3A_1009] : memref<16384x128xf32, #tpu.memory_space<hbm>> -> memref<128x128xf32, #tpu.memory_space<hbm>>
      %dma_start3A_1011 = arith.constant 0 : i32
      %dma_start3A_1012 = tpu.memref_slice %arg6[%add3A_827, %dma_start3A_1011] : memref<16384x128xf32, #tpu.memory_space<hbm>> -> memref<128x128xf32, #tpu.memory_space<hbm>>
      tpu.enqueue_dma source(%arg13 : memref<128x128xf32, #tpu.memory_space<vmem>>) target(%dma_start3A_1012 : memref<128x128xf32, #tpu.memory_space<hbm>>) target_semaphore(%run_scoped3A : memref<!tpu.dma_semaphore, #tpu.memory_space<semaphore_mem>>)
      %dma_wait3A_1013 = arith.constant 0 : i32
      %dma_wait3A_1014 = tpu.memref_slice %arg6[%add3A_827, %dma_wait3A_1013] : memref<16384x128xf32, #tpu.memory_space<hbm>> -> memref<128x128xf32, #tpu.memory_space<hbm>>
      %dma_wait3A_1015 = arith.constant 0 : i32
      %dma_wait3A_1016 = tpu.memref_slice %arg6[%add3A_827, %dma_wait3A_1015] : memref<16384x128xf32, #tpu.memory_space<hbm>> -> memref<128x128xf32, #tpu.memory_space<hbm>>
      tpu.wait_dma2 semaphore(%run_scoped3A : memref<!tpu.dma_semaphore, #tpu.memory_space<semaphore_mem>>) src(%arg13 : memref<128x128xf32, #tpu.memory_space<vmem>>) dst(%dma_wait3A_1016 : memref<128x128xf32, #tpu.memory_space<hbm>>)
      tpu.yield
    }) : () -> ()
    %dma_wait3A_828 = arith.constant 384 : i32
    %dma_wait3A_829 = tpu.memref_slice %arg11[%dma_wait3A_828] : memref<512xi32, #tpu.memory_space<vmem>> -> memref<128xi32, #tpu.memory_space<vmem>>
    %dma_wait3A_830 = arith.constant 0 : i32
    %dma_wait3A_831 = arith.constant 0 : i32
    %dma_wait3A_832 = tpu.memref_slice %arg3[%dma_wait3A_830, %dma_wait3A_831] : memref<782x128xi32, #tpu.memory_space<hbm>> -> memref<782x128xi32, #tpu.memory_space<hbm>>
    tpu.wait_indirect_dma semaphore(%arg21 : memref<!tpu.dma_semaphore, #tpu.memory_space<semaphore_mem>>) src(%dma_wait3A_832 : memref<782x128xi32, #tpu.memory_space<hbm>>) dst(%arg15 : memref<128x128xi32, #tpu.memory_space<vmem>>)
    %get3A_833 = arith.constant 384 : index
    %get3A_834 = tpu.vector_load %arg10[%get3A_833] {strides = array<i32>} : memref<512xi32, #tpu.memory_space<vmem>>, vector<16xi32>,
    %and3A_835 = arith.constant 127 : i32
    %and3A_836 = vector.broadcast %and3A_835 : i32 to vector<16xi32>
    %and3A_837 = arith.andi %get3A_834, %and3A_836 : vector<16xi32>
    %iota3A_838 = tpu.iota {dimensions = array<i32: 0>} : vector<16xi32>
    %add3A_839 = arith.constant 0 : i32
    %add3A_840 = vector.broadcast %add3A_839 : i32 to vector<16xi32>
    %add3A_841 = arith.addi %iota3A_838, %add3A_840 : vector<16xi32>
    %gather3A_842 = tpu.vector_load_idx %arg15[%add3A_841, %and3A_837] : memref<128x128xi32, #tpu.memory_space<vmem>>[vector<16xi32>, vector<16xi32>], vector<16xi32>,
    %shift_left3A_843 = arith.constant 16 : i32
    %shift_left3A_844 = vector.broadcast %shift_left3A_843 : i32 to vector<16xi32>
    %shift_left3A_845 = arith.shli %gather3A_842, %shift_left3A_844 : vector<16xi32>
    %bitcast3A_846 = vector.bitcast %shift_left3A_845 : vector<16xi32> to vector<16xf32>
    %swap3A_847 = arith.constant 384 : index
    %swap3A_848 = tpu.vector_load %arg16[%swap3A_847] {strides = array<i32>} : memref<512xf32, #tpu.memory_space<vmem>>, vector<16xf32>,
    tpu.vector_store %arg16[%swap3A_847], %bitcast3A_846 {strides = array<i32>} : memref<512xf32, #tpu.memory_space<vmem>>, vector<16xf32>,
    %and3A_849 = arith.constant -65536 : i32
    %and3A_850 = vector.broadcast %and3A_849 : i32 to vector<16xi32>
    %and3A_851 = arith.andi %gather3A_842, %and3A_850 : vector<16xi32>
    %bitcast3A_852 = vector.bitcast %and3A_851 : vector<16xi32> to vector<16xf32>
    %swap3A_853 = arith.constant 384 : index
    %swap3A_854 = tpu.vector_load %arg17[%swap3A_853] {strides = array<i32>} : memref<512xf32, #tpu.memory_space<vmem>>, vector<16xf32>,
    tpu.vector_store %arg17[%swap3A_853], %bitcast3A_852 {strides = array<i32>} : memref<512xf32, #tpu.memory_space<vmem>>, vector<16xf32>,
    %get3A_855 = arith.constant 400 : index
    %get3A_856 = tpu.vector_load %arg10[%get3A_855] {strides = array<i32>} : memref<512xi32, #tpu.memory_space<vmem>>, vector<16xi32>,
    %and3A_857 = arith.constant 127 : i32
    %and3A_858 = vector.broadcast %and3A_857 : i32 to vector<16xi32>
    %and3A_859 = arith.andi %get3A_856, %and3A_858 : vector<16xi32>
    %iota3A_860 = tpu.iota {dimensions = array<i32: 0>} : vector<16xi32>
    %add3A_861 = arith.constant 16 : i32
    %add3A_862 = vector.broadcast %add3A_861 : i32 to vector<16xi32>
    %add3A_863 = arith.addi %iota3A_860, %add3A_862 : vector<16xi32>
    %gather3A_864 = tpu.vector_load_idx %arg15[%add3A_863, %and3A_859] : memref<128x128xi32, #tpu.memory_space<vmem>>[vector<16xi32>, vector<16xi32>], vector<16xi32>,
    %shift_left3A_865 = arith.constant 16 : i32
    %shift_left3A_866 = vector.broadcast %shift_left3A_865 : i32 to vector<16xi32>
    %shift_left3A_867 = arith.shli %gather3A_864, %shift_left3A_866 : vector<16xi32>
    %bitcast3A_868 = vector.bitcast %shift_left3A_867 : vector<16xi32> to vector<16xf32>
    %swap3A_869 = arith.constant 400 : index
    %swap3A_870 = tpu.vector_load %arg16[%swap3A_869] {strides = array<i32>} : memref<512xf32, #tpu.memory_space<vmem>>, vector<16xf32>,
    tpu.vector_store %arg16[%swap3A_869], %bitcast3A_868 {strides = array<i32>} : memref<512xf32, #tpu.memory_space<vmem>>, vector<16xf32>,
    %and3A_871 = arith.constant -65536 : i32
    %and3A_872 = vector.broadcast %and3A_871 : i32 to vector<16xi32>
    %and3A_873 = arith.andi %gather3A_864, %and3A_872 : vector<16xi32>
    %bitcast3A_874 = vector.bitcast %and3A_873 : vector<16xi32> to vector<16xf32>
    %swap3A_875 = arith.constant 400 : index
    %swap3A_876 = tpu.vector_load %arg17[%swap3A_875] {strides = array<i32>} : memref<512xf32, #tpu.memory_space<vmem>>, vector<16xf32>,
    tpu.vector_store %arg17[%swap3A_875], %bitcast3A_874 {strides = array<i32>} : memref<512xf32, #tpu.memory_space<vmem>>, vector<16xf32>,
    %get3A_877 = arith.constant 416 : index
    %get3A_878 = tpu.vector_load %arg10[%get3A_877] {strides = array<i32>} : memref<512xi32, #tpu.memory_space<vmem>>, vector<16xi32>,
    %and3A_879 = arith.constant 127 : i32
    %and3A_880 = vector.broadcast %and3A_879 : i32 to vector<16xi32>
    %and3A_881 = arith.andi %get3A_878, %and3A_880 : vector<16xi32>
    %iota3A_882 = tpu.iota {dimensions = array<i32: 0>} : vector<16xi32>
    %add3A_883 = arith.constant 32 : i32
    %add3A_884 = vector.broadcast %add3A_883 : i32 to vector<16xi32>
    %add3A_885 = arith.addi %iota3A_882, %add3A_884 : vector<16xi32>
    %gather3A_886 = tpu.vector_load_idx %arg15[%add3A_885, %and3A_881] : memref<128x128xi32, #tpu.memory_space<vmem>>[vector<16xi32>, vector<16xi32>], vector<16xi32>,
    %shift_left3A_887 = arith.constant 16 : i32
    %shift_left3A_888 = vector.broadcast %shift_left3A_887 : i32 to vector<16xi32>
    %shift_left3A_889 = arith.shli %gather3A_886, %shift_left3A_888 : vector<16xi32>
    %bitcast3A_890 = vector.bitcast %shift_left3A_889 : vector<16xi32> to vector<16xf32>
    %swap3A_891 = arith.constant 416 : index
    %swap3A_892 = tpu.vector_load %arg16[%swap3A_891] {strides = array<i32>} : memref<512xf32, #tpu.memory_space<vmem>>, vector<16xf32>,
    tpu.vector_store %arg16[%swap3A_891], %bitcast3A_890 {strides = array<i32>} : memref<512xf32, #tpu.memory_space<vmem>>, vector<16xf32>,
    %and3A_893 = arith.constant -65536 : i32
    %and3A_894 = vector.broadcast %and3A_893 : i32 to vector<16xi32>
    %and3A_895 = arith.andi %gather3A_886, %and3A_894 : vector<16xi32>
    %bitcast3A_896 = vector.bitcast %and3A_895 : vector<16xi32> to vector<16xf32>
    %swap3A_897 = arith.constant 416 : index
    %swap3A_898 = tpu.vector_load %arg17[%swap3A_897] {strides = array<i32>} : memref<512xf32, #tpu.memory_space<vmem>>, vector<16xf32>,
    tpu.vector_store %arg17[%swap3A_897], %bitcast3A_896 {strides = array<i32>} : memref<512xf32, #tpu.memory_space<vmem>>, vector<16xf32>,
    %get3A_899 = arith.constant 432 : index
    %get3A_900 = tpu.vector_load %arg10[%get3A_899] {strides = array<i32>} : memref<512xi32, #tpu.memory_space<vmem>>, vector<16xi32>,
    %and3A_901 = arith.constant 127 : i32
    %and3A_902 = vector.broadcast %and3A_901 : i32 to vector<16xi32>
    %and3A_903 = arith.andi %get3A_900, %and3A_902 : vector<16xi32>
    %iota3A_904 = tpu.iota {dimensions = array<i32: 0>} : vector<16xi32>
    %add3A_905 = arith.constant 48 : i32
    %add3A_906 = vector.broadcast %add3A_905 : i32 to vector<16xi32>
    %add3A_907 = arith.addi %iota3A_904, %add3A_906 : vector<16xi32>
    %gather3A_908 = tpu.vector_load_idx %arg15[%add3A_907, %and3A_903] : memref<128x128xi32, #tpu.memory_space<vmem>>[vector<16xi32>, vector<16xi32>], vector<16xi32>,
    %shift_left3A_909 = arith.constant 16 : i32
    %shift_left3A_910 = vector.broadcast %shift_left3A_909 : i32 to vector<16xi32>
    %shift_left3A_911 = arith.shli %gather3A_908, %shift_left3A_910 : vector<16xi32>
    %bitcast3A_912 = vector.bitcast %shift_left3A_911 : vector<16xi32> to vector<16xf32>
    %swap3A_913 = arith.constant 432 : index
    %swap3A_914 = tpu.vector_load %arg16[%swap3A_913] {strides = array<i32>} : memref<512xf32, #tpu.memory_space<vmem>>, vector<16xf32>,
    tpu.vector_store %arg16[%swap3A_913], %bitcast3A_912 {strides = array<i32>} : memref<512xf32, #tpu.memory_space<vmem>>, vector<16xf32>,
    %and3A_915 = arith.constant -65536 : i32
    %and3A_916 = vector.broadcast %and3A_915 : i32 to vector<16xi32>
    %and3A_917 = arith.andi %gather3A_908, %and3A_916 : vector<16xi32>
    %bitcast3A_918 = vector.bitcast %and3A_917 : vector<16xi32> to vector<16xf32>
    %swap3A_919 = arith.constant 432 : index
    %swap3A_920 = tpu.vector_load %arg17[%swap3A_919] {strides = array<i32>} : memref<512xf32, #tpu.memory_space<vmem>>, vector<16xf32>,
    tpu.vector_store %arg17[%swap3A_919], %bitcast3A_918 {strides = array<i32>} : memref<512xf32, #tpu.memory_space<vmem>>, vector<16xf32>,
    %get3A_921 = arith.constant 448 : index
    %get3A_922 = tpu.vector_load %arg10[%get3A_921] {strides = array<i32>} : memref<512xi32, #tpu.memory_space<vmem>>, vector<16xi32>,
    %and3A_923 = arith.constant 127 : i32
    %and3A_924 = vector.broadcast %and3A_923 : i32 to vector<16xi32>
    %and3A_925 = arith.andi %get3A_922, %and3A_924 : vector<16xi32>
    %iota3A_926 = tpu.iota {dimensions = array<i32: 0>} : vector<16xi32>
    %add3A_927 = arith.constant 64 : i32
    %add3A_928 = vector.broadcast %add3A_927 : i32 to vector<16xi32>
    %add3A_929 = arith.addi %iota3A_926, %add3A_928 : vector<16xi32>
    %gather3A_930 = tpu.vector_load_idx %arg15[%add3A_929, %and3A_925] : memref<128x128xi32, #tpu.memory_space<vmem>>[vector<16xi32>, vector<16xi32>], vector<16xi32>,
    %shift_left3A_931 = arith.constant 16 : i32
    %shift_left3A_932 = vector.broadcast %shift_left3A_931 : i32 to vector<16xi32>
    %shift_left3A_933 = arith.shli %gather3A_930, %shift_left3A_932 : vector<16xi32>
    %bitcast3A_934 = vector.bitcast %shift_left3A_933 : vector<16xi32> to vector<16xf32>
    %swap3A_935 = arith.constant 448 : index
    %swap3A_936 = tpu.vector_load %arg16[%swap3A_935] {strides = array<i32>} : memref<512xf32, #tpu.memory_space<vmem>>, vector<16xf32>,
    tpu.vector_store %arg16[%swap3A_935], %bitcast3A_934 {strides = array<i32>} : memref<512xf32, #tpu.memory_space<vmem>>, vector<16xf32>,
    %and3A_937 = arith.constant -65536 : i32
    %and3A_938 = vector.broadcast %and3A_937 : i32 to vector<16xi32>
    %and3A_939 = arith.andi %gather3A_930, %and3A_938 : vector<16xi32>
    %bitcast3A_940 = vector.bitcast %and3A_939 : vector<16xi32> to vector<16xf32>
    %swap3A_941 = arith.constant 448 : index
    %swap3A_942 = tpu.vector_load %arg17[%swap3A_941] {strides = array<i32>} : memref<512xf32, #tpu.memory_space<vmem>>, vector<16xf32>,
    tpu.vector_store %arg17[%swap3A_941], %bitcast3A_940 {strides = array<i32>} : memref<512xf32, #tpu.memory_space<vmem>>, vector<16xf32>,
    %get3A_943 = arith.constant 464 : index
    %get3A_944 = tpu.vector_load %arg10[%get3A_943] {strides = array<i32>} : memref<512xi32, #tpu.memory_space<vmem>>, vector<16xi32>,
    %and3A_945 = arith.constant 127 : i32
    %and3A_946 = vector.broadcast %and3A_945 : i32 to vector<16xi32>
    %and3A_947 = arith.andi %get3A_944, %and3A_946 : vector<16xi32>
    %iota3A_948 = tpu.iota {dimensions = array<i32: 0>} : vector<16xi32>
    %add3A_949 = arith.constant 80 : i32
    %add3A_950 = vector.broadcast %add3A_949 : i32 to vector<16xi32>
    %add3A_951 = arith.addi %iota3A_948, %add3A_950 : vector<16xi32>
    %gather3A_952 = tpu.vector_load_idx %arg15[%add3A_951, %and3A_947] : memref<128x128xi32, #tpu.memory_space<vmem>>[vector<16xi32>, vector<16xi32>], vector<16xi32>,
    %shift_left3A_953 = arith.constant 16 : i32
    %shift_left3A_954 = vector.broadcast %shift_left3A_953 : i32 to vector<16xi32>
    %shift_left3A_955 = arith.shli %gather3A_952, %shift_left3A_954 : vector<16xi32>
    %bitcast3A_956 = vector.bitcast %shift_left3A_955 : vector<16xi32> to vector<16xf32>
    %swap3A_957 = arith.constant 464 : index
    %swap3A_958 = tpu.vector_load %arg16[%swap3A_957] {strides = array<i32>} : memref<512xf32, #tpu.memory_space<vmem>>, vector<16xf32>,
    tpu.vector_store %arg16[%swap3A_957], %bitcast3A_956 {strides = array<i32>} : memref<512xf32, #tpu.memory_space<vmem>>, vector<16xf32>,
    %and3A_959 = arith.constant -65536 : i32
    %and3A_960 = vector.broadcast %and3A_959 : i32 to vector<16xi32>
    %and3A_961 = arith.andi %gather3A_952, %and3A_960 : vector<16xi32>
    %bitcast3A_962 = vector.bitcast %and3A_961 : vector<16xi32> to vector<16xf32>
    %swap3A_963 = arith.constant 464 : index
    %swap3A_964 = tpu.vector_load %arg17[%swap3A_963] {strides = array<i32>} : memref<512xf32, #tpu.memory_space<vmem>>, vector<16xf32>,
    tpu.vector_store %arg17[%swap3A_963], %bitcast3A_962 {strides = array<i32>} : memref<512xf32, #tpu.memory_space<vmem>>, vector<16xf32>,
    %get3A_965 = arith.constant 480 : index
    %get3A_966 = tpu.vector_load %arg10[%get3A_965] {strides = array<i32>} : memref<512xi32, #tpu.memory_space<vmem>>, vector<16xi32>,
    %and3A_967 = arith.constant 127 : i32
    %and3A_968 = vector.broadcast %and3A_967 : i32 to vector<16xi32>
    %and3A_969 = arith.andi %get3A_966, %and3A_968 : vector<16xi32>
    %iota3A_970 = tpu.iota {dimensions = array<i32: 0>} : vector<16xi32>
    %add3A_971 = arith.constant 96 : i32
    %add3A_972 = vector.broadcast %add3A_971 : i32 to vector<16xi32>
    %add3A_973 = arith.addi %iota3A_970, %add3A_972 : vector<16xi32>
    %gather3A_974 = tpu.vector_load_idx %arg15[%add3A_973, %and3A_969] : memref<128x128xi32, #tpu.memory_space<vmem>>[vector<16xi32>, vector<16xi32>], vector<16xi32>,
    %shift_left3A_975 = arith.constant 16 : i32
    %shift_left3A_976 = vector.broadcast %shift_left3A_975 : i32 to vector<16xi32>
    %shift_left3A_977 = arith.shli %gather3A_974, %shift_left3A_976 : vector<16xi32>
    %bitcast3A_978 = vector.bitcast %shift_left3A_977 : vector<16xi32> to vector<16xf32>
    %swap3A_979 = arith.constant 480 : index
    %swap3A_980 = tpu.vector_load %arg16[%swap3A_979] {strides = array<i32>} : memref<512xf32, #tpu.memory_space<vmem>>, vector<16xf32>,
    tpu.vector_store %arg16[%swap3A_979], %bitcast3A_978 {strides = array<i32>} : memref<512xf32, #tpu.memory_space<vmem>>, vector<16xf32>,
    %and3A_981 = arith.constant -65536 : i32
    %and3A_982 = vector.broadcast %and3A_981 : i32 to vector<16xi32>
    %and3A_983 = arith.andi %gather3A_974, %and3A_982 : vector<16xi32>
    %bitcast3A_984 = vector.bitcast %and3A_983 : vector<16xi32> to vector<16xf32>
    %swap3A_985 = arith.constant 480 : index
    %swap3A_986 = tpu.vector_load %arg17[%swap3A_985] {strides = array<i32>} : memref<512xf32, #tpu.memory_space<vmem>>, vector<16xf32>,
    tpu.vector_store %arg17[%swap3A_985], %bitcast3A_984 {strides = array<i32>} : memref<512xf32, #tpu.memory_space<vmem>>, vector<16xf32>,
    %get3A_987 = arith.constant 496 : index
    %get3A_988 = tpu.vector_load %arg10[%get3A_987] {strides = array<i32>} : memref<512xi32, #tpu.memory_space<vmem>>, vector<16xi32>,
    %and3A_989 = arith.constant 127 : i32
    %and3A_990 = vector.broadcast %and3A_989 : i32 to vector<16xi32>
    %and3A_991 = arith.andi %get3A_988, %and3A_990 : vector<16xi32>
    %iota3A_992 = tpu.iota {dimensions = array<i32: 0>} : vector<16xi32>
    %add3A_993 = arith.constant 112 : i32
    %add3A_994 = vector.broadcast %add3A_993 : i32 to vector<16xi32>
    %add3A_995 = arith.addi %iota3A_992, %add3A_994 : vector<16xi32>
    %gather3A_996 = tpu.vector_load_idx %arg15[%add3A_995, %and3A_991] : memref<128x128xi32, #tpu.memory_space<vmem>>[vector<16xi32>, vector<16xi32>], vector<16xi32>,
    %shift_left3A_997 = arith.constant 16 : i32
    %shift_left3A_998 = vector.broadcast %shift_left3A_997 : i32 to vector<16xi32>
    %shift_left3A_999 = arith.shli %gather3A_996, %shift_left3A_998 : vector<16xi32>
    %bitcast3A_1000 = vector.bitcast %shift_left3A_999 : vector<16xi32> to vector<16xf32>
    %swap3A_1001 = arith.constant 496 : index
    %swap3A_1002 = tpu.vector_load %arg16[%swap3A_1001] {strides = array<i32>} : memref<512xf32, #tpu.memory_space<vmem>>, vector<16xf32>,
    tpu.vector_store %arg16[%swap3A_1001], %bitcast3A_1000 {strides = array<i32>} : memref<512xf32, #tpu.memory_space<vmem>>, vector<16xf32>,
    %and3A_1003 = arith.constant -65536 : i32
    %and3A_1004 = vector.broadcast %and3A_1003 : i32 to vector<16xi32>
    %and3A_1005 = arith.andi %gather3A_996, %and3A_1004 : vector<16xi32>
    %bitcast3A_1006 = vector.bitcast %and3A_1005 : vector<16xi32> to vector<16xf32>
    %swap3A_1007 = arith.constant 496 : index
    %swap3A_1008 = tpu.vector_load %arg17[%swap3A_1007] {strides = array<i32>} : memref<512xf32, #tpu.memory_space<vmem>>, vector<16xf32>,
    tpu.vector_store %arg17[%swap3A_1007], %bitcast3A_1006 {strides = array<i32>} : memref<512xf32, #tpu.memory_space<vmem>>, vector<16xf32>,
    "tpu.region"() ({
      %run_scoped3A = tpu.sem_alloc : memref<!tpu.dma_semaphore, #tpu.memory_space<semaphore_mem>>
      %dma_start3A_1009 = tpu.memref_slice %arg7[%mul3A_2] : memref<16384xf32, #tpu.memory_space<hbm>> -> memref<512xf32, #tpu.memory_space<hbm>>
      %dma_start3A_1010 = tpu.memref_slice %arg7[%mul3A_2] : memref<16384xf32, #tpu.memory_space<hbm>> -> memref<512xf32, #tpu.memory_space<hbm>>
      tpu.enqueue_dma source(%arg16 : memref<512xf32, #tpu.memory_space<vmem>>) target(%dma_start3A_1010 : memref<512xf32, #tpu.memory_space<hbm>>) target_semaphore(%run_scoped3A : memref<!tpu.dma_semaphore, #tpu.memory_space<semaphore_mem>>)
      %dma_wait3A_1011 = tpu.memref_slice %arg7[%mul3A_2] : memref<16384xf32, #tpu.memory_space<hbm>> -> memref<512xf32, #tpu.memory_space<hbm>>
      %dma_wait3A_1012 = tpu.memref_slice %arg7[%mul3A_2] : memref<16384xf32, #tpu.memory_space<hbm>> -> memref<512xf32, #tpu.memory_space<hbm>>
      tpu.wait_dma2 semaphore(%run_scoped3A : memref<!tpu.dma_semaphore, #tpu.memory_space<semaphore_mem>>) src(%arg16 : memref<512xf32, #tpu.memory_space<vmem>>) dst(%dma_wait3A_1012 : memref<512xf32, #tpu.memory_space<hbm>>)
      tpu.yield
    }) : () -> ()
    "tpu.region"() ({
      %run_scoped3A = tpu.sem_alloc : memref<!tpu.dma_semaphore, #tpu.memory_space<semaphore_mem>>
      %dma_start3A_1009 = tpu.memref_slice %arg8[%mul3A_2] : memref<16384xf32, #tpu.memory_space<hbm>> -> memref<512xf32, #tpu.memory_space<hbm>>
      %dma_start3A_1010 = tpu.memref_slice %arg8[%mul3A_2] : memref<16384xf32, #tpu.memory_space<hbm>> -> memref<512xf32, #tpu.memory_space<hbm>>
      tpu.enqueue_dma source(%arg17 : memref<512xf32, #tpu.memory_space<vmem>>) target(%dma_start3A_1010 : memref<512xf32, #tpu.memory_space<hbm>>) target_semaphore(%run_scoped3A : memref<!tpu.dma_semaphore, #tpu.memory_space<semaphore_mem>>)
      %dma_wait3A_1011 = tpu.memref_slice %arg8[%mul3A_2] : memref<16384xf32, #tpu.memory_space<hbm>> -> memref<512xf32, #tpu.memory_space<hbm>>
      %dma_wait3A_1012 = tpu.memref_slice %arg8[%mul3A_2] : memref<16384xf32, #tpu.memory_space<hbm>> -> memref<512xf32, #tpu.memory_space<hbm>>
      tpu.wait_dma2 semaphore(%run_scoped3A : memref<!tpu.dma_semaphore, #tpu.memory_space<semaphore_mem>>) src(%arg17 : memref<512xf32, #tpu.memory_space<vmem>>) dst(%dma_wait3A_1012 : memref<512xf32, #tpu.memory_space<hbm>>)
      tpu.yield
    }) : () -> ()
    return
  }
}

module attributes {stable_mosaic.version = 14 : i64} {
  func.func @_tc_body(%arg0: i32, %arg1: memref<4096x128xf32, #tpu.memory_space<vmem>>, %arg2: memref<4096x128xf32, #tpu.memory_space<vmem>>, %arg3: memref<4096xf32, #tpu.memory_space<vmem>>, %arg4: memref<4096xf32, #tpu.memory_space<vmem>>, %arg5: memref<4096xf32, #tpu.memory_space<vmem>>) attributes {dimension_semantics = [#tpu.dimension_semantics<arbitrary>], iteration_bounds = array<i64: 4>, scalar_prefetch = 0 : i64, scratch_operands = 0 : i64, tpu.core_type = #tpu.core_type<tc>, window_params = [{transform_indices = @transform_0, window_bounds = array<i64: 4096, 128>}, {transform_indices = @transform_1, window_bounds = array<i64: 4096, 128>}, {transform_indices = @transform_2, window_bounds = array<i64: 4096>}, {transform_indices = @transform_3, window_bounds = array<i64: 4096>}, {transform_indices = @transform_4, window_bounds = array<i64: 4096>}]} {
    %get3A = arith.constant 0 : index
    %get3A_0 = arith.constant 0 : index
    %get3A_1 = vector.load %arg1[%get3A, %get3A_0] : memref<4096x128xf32, #tpu.memory_space<vmem>>, vector<4096x128xf32>
    %get3A_2 = arith.constant 0 : index
    %get3A_3 = arith.constant 0 : index
    %get3A_4 = vector.load %arg2[%get3A_2, %get3A_3] : memref<4096x128xf32, #tpu.memory_space<vmem>>, vector<4096x128xf32>
    %logistic3A = arith.negf %get3A_1 : vector<4096x128xf32>
    %logistic3A_5 = math.exp %logistic3A : vector<4096x128xf32>
    %logistic3A_6 = arith.constant 1.000000e+00 : f32
    %logistic3A_7 = vector.broadcast %logistic3A_6 : f32 to vector<4096x128xf32>
    %logistic3A_8 = arith.addf %logistic3A_7, %logistic3A_5 : vector<4096x128xf32>
    %logistic3A_9 = arith.divf %logistic3A_7, %logistic3A_8 : vector<4096x128xf32>
    %sub3A = arith.constant 5.000000e-01 : f32
    %sub3A_10 = vector.broadcast %sub3A : f32 to vector<4096x128xf32>
    %sub3A_11 = arith.subf %logistic3A_9, %sub3A_10 : vector<4096x128xf32>
    %mul3A = arith.mulf %get3A_4, %sub3A_11 : vector<4096x128xf32>
    %broadcast_in_dim3A = arith.constant 1.000000e+00 : f32
    %broadcast_in_dim3A_12 = vector.broadcast %broadcast_in_dim3A : f32 to vector<1x128xf32>
    %dot_general3A = arith.constant dense<0.000000e+00> : vector<1x4096xf32>
    %dot_general3A_13 = tpu.matmul %broadcast_in_dim3A_12, %mul3A, %dot_general3A {dimension_numbers = #tpu.dot_dimension_numbers<[1], [1], [0], [0], [0, 0, 1, 0], [], []>, transpose_lhs_hint = false} : vector<1x128xf32>, vector<4096x128xf32>, vector<1x4096xf32> -> vector<1x4096xf32>
    %mul3A_14 = arith.constant 2.000000e-02 : f32
    %mul3A_15 = vector.broadcast %mul3A_14 : f32 to vector<1x4096xf32>
    %mul3A_16 = arith.mulf %dot_general3A_13, %mul3A_15 : vector<1x4096xf32>
    %logistic3A_17 = arith.negf %mul3A_16 : vector<1x4096xf32>
    %logistic3A_18 = math.exp %logistic3A_17 : vector<1x4096xf32>
    %logistic3A_19 = arith.constant 1.000000e+00 : f32
    %logistic3A_20 = vector.broadcast %logistic3A_19 : f32 to vector<1x4096xf32>
    %logistic3A_21 = arith.addf %logistic3A_20, %logistic3A_18 : vector<1x4096xf32>
    %logistic3A_22 = arith.divf %logistic3A_20, %logistic3A_21 : vector<1x4096xf32>
    %get3A_23 = arith.constant 0 : index
    %get3A_24 = vector.load %arg3[%get3A_23] : memref<4096xf32, #tpu.memory_space<vmem>>, vector<4096xf32>
    %reshape3A = vector.shape_cast %get3A_24 : vector<4096xf32> to vector<1x4096xf32>
    %mul3A_25 = arith.constant 4.000000e-01 : f32
    %mul3A_26 = vector.broadcast %mul3A_25 : f32 to vector<1x4096xf32>
    %mul3A_27 = arith.mulf %reshape3A, %mul3A_26 : vector<1x4096xf32>
    %logistic3A_28 = arith.negf %mul3A_27 : vector<1x4096xf32>
    %logistic3A_29 = math.exp %logistic3A_28 : vector<1x4096xf32>
    %logistic3A_30 = arith.constant 1.000000e+00 : f32
    %logistic3A_31 = vector.broadcast %logistic3A_30 : f32 to vector<1x4096xf32>
    %logistic3A_32 = arith.addf %logistic3A_31, %logistic3A_29 : vector<1x4096xf32>
    %logistic3A_33 = arith.divf %logistic3A_31, %logistic3A_32 : vector<1x4096xf32>
    %get3A_34 = arith.constant 0 : index
    %get3A_35 = vector.load %arg4[%get3A_34] : memref<4096xf32, #tpu.memory_space<vmem>>, vector<4096xf32>
    %reshape3A_36 = vector.shape_cast %get3A_35 : vector<4096xf32> to vector<1x4096xf32>
    %mul3A_37 = arith.constant 4.000000e-01 : f32
    %mul3A_38 = vector.broadcast %mul3A_37 : f32 to vector<1x4096xf32>
    %mul3A_39 = arith.mulf %reshape3A_36, %mul3A_38 : vector<1x4096xf32>
    %logistic3A_40 = arith.negf %mul3A_39 : vector<1x4096xf32>
    %logistic3A_41 = math.exp %logistic3A_40 : vector<1x4096xf32>
    %logistic3A_42 = arith.constant 1.000000e+00 : f32
    %logistic3A_43 = vector.broadcast %logistic3A_42 : f32 to vector<1x4096xf32>
    %logistic3A_44 = arith.addf %logistic3A_43, %logistic3A_41 : vector<1x4096xf32>
    %logistic3A_45 = arith.divf %logistic3A_43, %logistic3A_44 : vector<1x4096xf32>
    %sub3A_46 = arith.constant 1.000000e+00 : f32
    %sub3A_47 = vector.broadcast %sub3A_46 : f32 to vector<1x4096xf32>
    %sub3A_48 = arith.subf %sub3A_47, %logistic3A_33 : vector<1x4096xf32>
    %mul3A_49 = arith.mulf %sub3A_48, %logistic3A_22 : vector<1x4096xf32>
    %sub3A_50 = arith.constant 1.000000e+00 : f32
    %sub3A_51 = vector.broadcast %sub3A_50 : f32 to vector<1x4096xf32>
    %sub3A_52 = arith.subf %sub3A_51, %logistic3A_22 : vector<1x4096xf32>
    %mul3A_53 = arith.mulf %logistic3A_45, %sub3A_52 : vector<1x4096xf32>
    %add3A = arith.addf %mul3A_49, %mul3A_53 : vector<1x4096xf32>
    %reshape3A_54 = vector.shape_cast %add3A : vector<1x4096xf32> to vector<4096xf32>
    %swap3A = arith.constant 0 : index
    %swap3A_55 = vector.load %arg5[%swap3A] : memref<4096xf32, #tpu.memory_space<vmem>>, vector<4096xf32>
    tpu.vector_store %arg5[%swap3A], %reshape3A_54 {strides = array<i32>} : memref<4096xf32, #tpu.memory_space<vmem>>, vector<4096xf32>,
    return
  }
  func.func @transform_0(%arg0: i32) -> (i32, i32) {
    %c0_i32 = arith.constant 0 : i32
    %c0_i32_0 = arith.constant 0 : i32
    return %arg0, %c0_i32 : i32, i32
  }
  func.func @transform_1(%arg0: i32) -> (i32, i32) {
    %c0_i32 = arith.constant 0 : i32
    %c0_i32_0 = arith.constant 0 : i32
    return %arg0, %c0_i32 : i32, i32
  }
  func.func @transform_2(%arg0: i32) -> i32 {
    %c0_i32 = arith.constant 0 : i32
    return %arg0 : i32
  }
  func.func @transform_3(%arg0: i32) -> i32 {
    %c0_i32 = arith.constant 0 : i32
    return %arg0 : i32
  }
  func.func @transform_4(%arg0: i32) -> i32 {
    %c0_i32 = arith.constant 0 : i32
    return %arg0 : i32
  }
}

</mosaic_0001>

<sc_bundles>
// kernel: kernel.4.cloned.1.call-start
scs
__scs_entry_jumppad:
0x0: {  	(pc) =	sbr.rel $0x88, $3  }
0x1: {  	(tag) =	ssettag $0x0;
	lr =	simm.s32 $0x1  }
0x2: {  	[smem:$0x3F9B] =	sst lr;
	_ =	strace $0xD0000000  }
0x3: {  	_ = 	snop  }
0x4: {  	_ = 	snop  }
0x5: {  	_ = 	snop  }
0x6: {  	_ = 	snop  }
0x7: {  	_ = 	snop  }
__scs_overlays_trampoline_lowered:
0x8: {  	[smem:$0x3FAA] =	sst s0  }
0x9: {  	[smem:$0x3FAB] =	sst s1  }
0xa: {  	[smem:$0x3FAC] =	sst s2  }
0xb: {  	[smem:$0x3FAD] =	sst s3  }
0xc: {  	[smem:$0x3FAE] =	sst s4  }
0xd: {  	[smem:$0x3FAF] =	sst s5  }
0xe: {  	[smem:$0x3FB0] =	sst s6  }
0xf: {  	[smem:$0x3FB1] =	sst s7  }
0x10: {  	[smem:$0x3FB2] =	sst s8  }
0x11: {  	[smem:$0x3FB3] =	sst s9;
	s0 =	simm.s32 @!p0 $0x0  }
0x12: {  	s1 =	sld [smem:$0x3F99];
	s0 =	simm.s32 @p0 $0x1  }
0x13: {  	[smem:$0x3FB4] =	sst s0;
	s0 =	simm.s32 @!p1 $0x0  }
0x14: {  	s2 =	sld [smem:$0x3F98];
	s0 =	simm.s32 @p1 $0x1  }
0x15: {  	[smem:$0x3FB5] =	sst s0;
	s0 =	simm.s32 @!p2 $0x0  }
0x16: {  	s3 =	sld [smem:$0x3FDB];
	s0 =	simm.s32 @p2 $0x1  }
0x17: {  	s4 =	simm.s32 $0x1BF5;
	[smem:$0x3FB7] =	sst s0  }
0x18: {  	s0 =	sld [smem:$0x3F9A];
	_ =	swait.ge [sflag:s4], $0x0  }
0x19: {  	s7 =	sld [smem:$0x3F9B]  }
0x1a: {  	s8 =	sadd.s32 $0xFFFFE003, lr  }
0x1b: {  	s9 =	sadd.s32 $0xFFFFFEF7, lr;
	s5 =	simm.s32 $0xFFFFFFFF;
	p2 =	slt.u32 s8, $0xFFFFF086  }
0x1c: {  	p1 =	slt.u32 s9, $0xF7A;
	s5 =	simm.s32 @!p2 $0x0  }
0x1d: {  	s5 =	simm.s32 @p1 $0x1;
	p0 =	seq.s32 s7, s2  }
0x1e: {  	s7 =	smul.u32 @!p0 $0xF7A, s2;
	p2 =	seq.s32 @!p0 s5, $0x0  }
0x1f: {  	s9 =	smul.u32 $0xF7A, s1;
	s8 =	simm.s32 @!p0 $0x1BF5;
	p2 =	por !p2, p0  }
0x20: {  	[sflag:s8] =	ssyncset.s32 @!p0 $0xFFFFF086;
	s6 =	sadd.s32 @!p0 s3, s7;
	s7 =	simm.s32 @!p0 $0x108  }
0x21: {  	s3 =	sadd.s32 s3, s9;
	s6 =	sadd.s32 @!p0 $0x88, s6;
	s7 =	simm.s32 @p2 $0x1082  }
0x22: {  	[simem:s7], [sflag:s8] =	dma.local @!p0 [hbm:s6], $0xF7A  }
0x23: {  	s9 =	sor.u32 $0xD0000000, s2;
	s6 =	simm.s32 $0x108;
	_ =	swait.ge @!p0 [sflag:s8], $0x0  }
0x24: {  	s3 =	sadd.s32 $0x88, s3;
	s6 =	simm.s32 @!p1 $0x1082;
	[sflag:s4] =	ssyncset.s32 $0xFFFFF086  }
0x25: {  	[simem:s6], [sflag:s4] =	dma.local [hbm:s3], $0xF7A  }
0x26: {  	[smem:$0x3F9B] =	sst s1;
	(tag) =	ssettag s2;
	_ =	strace s9  }
0x27: {  	s1 =	sld [smem:$0x3FAB]  }
0x28: {  	s2 =	sld [smem:$0x3FAC]  }
0x29: {  	s4 =	sld [smem:$0x3FAE]  }
0x2a: {  	p0 =	seq.s32 s5, $0x0;
	s5 =	sld [smem:$0x3FAF]  }
0x2b: {  	s6 =	sld [smem:$0x3FB0]  }
0x2c: {  	s7 =	sld [smem:$0x3FB1]  }
0x2d: {  	s3 =	simm.s32 $0x108;
	s8 =	sld [smem:$0x3FB2]  }
0x2e: {  	s3 =	simm.s32 @!p0 $0x1082;
	s9 =	sld [smem:$0x3FB3]  }
0x2f: {  	lr =	sadd.s32 s0, s3;
	s0 =	sld [smem:$0x3FAA]  }
0x30: {  	s3 =	sld [smem:$0x3FAD]  }
0x31: {  	[smem:$0x3FB6] =	sst s10  }
0x32: {  	s10 =	sld [smem:$0x3FB4];
	_ =	sdelay $0x3  }
0x33: {  	p0 =	seq.s32 s10, $0x1;
	s10 =	sld [smem:$0x3FB6];
	_ =	sdelay $0x3  }
0x34: {  	[smem:$0x3FB6] =	sst s10  }
0x35: {  	s10 =	sld [smem:$0x3FB5];
	_ =	sdelay $0x3  }
0x36: {  	p1 =	seq.s32 s10, $0x1;
	s10 =	sld [smem:$0x3FB6];
	_ =	sdelay $0x3  }
0x37: {  	[smem:$0x3FB6] =	sst s10  }
0x38: {  	s10 =	sld [smem:$0x3FB7]  }
0x39: {  	_ = 	snop;
	(pc) =	sbr.ind lr, $3  }
0x3a: {  	_ = 	snop  }
0x3b: {  	_ = 	snop  }
0x3c: {  	p2 =	seq.s32 s10, $0x1;
	s10 =	sld [smem:$0x3FB6]  }
0x3d: {  	_ =	shalt  }
0x3e: {  	_ =	shalt  }
0x3f: {  	_ =	shalt  }
0x40: {  	_ =	shalt  }
0x41: {  	_ =	shalt  }
0x42: {  	_ =	shalt  }
0x43: {  	_ =	shalt  }
0x44: {  	_ =	shalt  }
0x45: {  	_ =	shalt  }
0x46: {  	_ =	shalt  }
0x47: {  	_ =	shalt  }
0x48: {  	_ =	shalt  }
0x49: {  	_ =	shalt  }
0x4a: {  	_ =	shalt  }
0x4b: {  	_ =	shalt  }
0x4c: {  	_ =	shalt  }
0x4d: {  	_ =	shalt  }
0x4e: {  	_ =	shalt  }
0x4f: {  	_ =	shalt  }
0x50: {  	_ =	shalt  }
0x51: {  	_ =	shalt  }
0x52: {  	_ =	shalt  }
0x53: {  	_ =	shalt  }
0x54: {  	_ =	shalt  }
0x55: {  	_ =	shalt  }
0x56: {  	_ =	shalt  }
0x57: {  	_ =	shalt  }
0x58: {  	_ =	shalt  }
0x59: {  	_ =	shalt  }
0x5a: {  	_ =	shalt  }
0x5b: {  	_ =	shalt  }
0x5c: {  	_ =	shalt  }
0x5d: {  	_ =	shalt  }
0x5e: {  	_ =	shalt  }
0x5f: {  	_ =	shalt  }
0x60: {  	_ =	shalt  }
0x61: {  	_ =	shalt  }
0x62: {  	_ =	shalt  }
0x63: {  	_ =	shalt  }
0x64: {  	_ =	shalt  }
0x65: {  	_ =	shalt  }
0x66: {  	_ =	shalt  }
0x67: {  	_ =	shalt  }
0x68: {  	_ =	shalt  }
0x69: {  	_ =	shalt  }
0x6a: {  	_ =	shalt  }
0x6b: {  	_ =	shalt  }
0x6c: {  	_ =	shalt  }
0x6d: {  	_ =	shalt  }
0x6e: {  	_ =	shalt  }
0x6f: {  	_ =	shalt  }
0x70: {  	_ =	shalt  }
0x71: {  	_ =	shalt  }
0x72: {  	_ =	shalt  }
0x73: {  	_ =	shalt  }
0x74: {  	_ =	shalt  }
0x75: {  	_ =	shalt  }
0x76: {  	_ =	shalt  }
0x77: {  	_ =	shalt  }
0x78: {  	_ =	shalt  }
0x79: {  	_ =	shalt  }
0x7a: {  	_ =	shalt  }
0x7b: {  	_ =	shalt  }
0x7c: {  	_ =	shalt  }
0x7d: {  	_ =	shalt  }
0x7e: {  	_ =	shalt  }
0x7f: {  	_ =	shalt  }
0x80: {  	_ =	shalt  }
0x81: {  	_ =	shalt  }
0x82: {  	_ =	shalt  }
0x83: {  	_ =	shalt  }
0x84: {  	_ =	shalt  }
0x85: {  	_ =	shalt  }
0x86: {  	_ =	shalt  }
0x87: {  	_ =	shalt  }
.Lfunc_end0:
.L_simem_size_0:
called_computation_lowered:
.L_overlay_start_0:
0x88: {  	s2 =	sld [smem:$0x3FD9]  }
0x89: {  	s3 =	sld [smem:$0x3FFE];
	_ =	sdelay $0x1  }
0x8a: {  	s1 =	srdreg.scid  }
0x8b: {  	s0 =	sand.u32 $0x1, s1  }
0x8c: {  	s17 =	sshll.u32 s0, $0xA;
	s2 =	sadd.s32 s3, s2  }
0x8d: {  	s2 =	sadd.s32 s2, s17  }
0x8e: {  	[smem:$0x3FC2] =	sst s2  }
0x8f: {  	_ = 	snop  }
0x90: {  	s2 =	sld [smem:$0x3FC9]  }
0x91: {  	s18 =	sld [smem:$0x3FC8]  }
0x92: {  	s4 =	sld [smem:$0x3FC6]  }
0x93: {  	s5 =	sld [smem:$0x3FD0];
	(tm) =	ssettm $0x1  }
0x94: {  	s6 =	sld [smem:$0x3FFB];
	_ =	sdelay $0x3  }
0x95: {  	_ =	strace s6  }
0x96: {  	s6 =	sld [smem:$0x3FFC];
	_ =	sdelay $0x3  }
0x97: {  	_ =	strace s6  }
0x98: {  	s6 =	sld [smem:$0x3FFD];
	_ =	sdelay $0x3  }
0x99: {  	_ =	strace s6  }
0x9a: {  	_ =	strace $0x8FFFFFFF  }
0x9b: {  	s19 =	sld [smem:$0x3FDB];
	_ =	sdelay $0x1  }
0x9c: {  	s7 =	simm.s32 $_scs_section_size  }
0x9d: {  	s8 =	simm.s32 $_size__tile_overlayer_lowered;
	s9 =	simm.s32 $_tile_overlayer_lowered  }
0x9e: {  	s22 =	simm.s32 $0x1BFF;
	s21 =	sshll.u32 s9, $0x1;
	s6 =	sadd.s32 s7, s19  }
0x9f: {  	s10 =	simm.s32 $0x0;
	s20 =	sshll.u32 s8, $0x1;
	s8 =	sadd.s32 s21, s6  }
0xa0: {  	[timem:s10], [sflag:s22] =	dma.local [hbm:s8], s20  }
0xa1: {  	_ =	swait.ge [sflag:s22], s20  }
0xa2: {  	s7 =	ssub.s32 $0x0, s20;
	[sflag:s22] =	ssyncset.done $0x0  }
0xa3: {  	[sflag:s22] =	ssyncadd.s32 s7;
	_ =	sdelay $0x1  }
0xa4: {  	s23 =	simm.s32 $0x1B8B  }
0xa5: {  	_ =	swait.ge [sflag:s23], $0x1  }
0xa6: {  	[sflag:s23] =	ssyncset.done $0x0  }
0xa7: {  	s25 =	simm.s32 $0x1B8E;
	s24 =	sld [smem:$0x3FFE];
	[sflag:s23] =	ssyncadd.s32 $0xFFFFFFFF  }
0xa8: {  	s26 =	simm.s32 $execute0_lowered;
	[smem:$0x3FD2] =	sst s25  }
0xa9: {  	s8 =	sshll.u32 s26, $0x1;
	_ =	strace $0x80000046;
	[dreg:$0x1] =	wrdreg $0xFFFFFFFF  }
0xaa: {  	s28 =	simm.s32 $_size_execute0_lowered;
	s6 =	sadd.s32 s6, s8;
	[dreg:$0x0] =	wrdreg $0x0  }
0xab: {  	s8 =	sshll.u32 s28, $0x1;
	[dreg:$0x2] =	wrdreg s6  }
0xac: {  	[dreg:$0x3] =	wrdreg s8  }
0xad: {  	[dreg:$0x4] =	wrdreg $0xC0  }
0xae: {  	_ =	task [dreg:s10], $0x5FFFF  }
0xaf: {  	[dreg:$0x1] =	wrdreg $0xFFFFFFFF  }
0xb0: {  	[dreg:$0x0] =	wrdreg $0x60  }
0xb1: {  	[dreg:$0x2] =	wrdreg s4  }
0xb2: {  	[dreg:$0x3] =	wrdreg s24  }
0xb3: {  	[dreg:$0x4] =	wrdreg s2  }
0xb4: {  	[dreg:$0x5] =	wrdreg s18  }
0xb5: {  	[dreg:$0x6] =	wrdreg s5  }
0xb6: {  	[dreg:$0x7] =	wrdreg $0x9  }
0xb7: {  	_ =	task.clear_ibuf [dreg:s10], $0x8FFFF;
	_ =	strace $0x90000046  }
0xb8: {  	s29 =	simm.s32 $0x9;
	_ =	strace $0x80000048  }
0xb9: {  	_ =	swait.ge [sflag:s29], $0x1  }
0xba: {  	[sflag:s29] =	ssyncadd.s32 $0xFFFFFFFF  }
0xbb: {  	_ =	strace $0x90000048  }
0xbc: {  	_ =	sfence  }
0xbd: {  	s30 =	sld [smem:$0x0];
	_ =	sdelay $0x2  }
0xbe: {  	s31 =	sshll.u32 s1, $0xD;
	s1 =	sshrl.u32 s1, $0x2  }
0xbf: {  	s3 =	sand.u32 $0x4000, s31;
	s1 =	sadd.s32 s1, s30  }
0xc0: {  	s0 =	sor.u32 s3, s0;
	s1 =	sshll.u32 s1, $0x11  }
0xc1: {  	s0 =	sor.u32 s1, s0  }
0xc2: {  	s0 =	sadd.s32 $0x8F2B, s0  }
0xc3: {  	[sflag:s0] =	ssyncadd.remote.s32 $0x1  }
0xc4: {  	_ =	sfence.sel $0xFFFF  }
0xc5: {  	[dreg:$0x0] =	wrdreg $0xFFFFFFFF;
	(pc) =	sbr.abs _section_cstart, $3  }
0xc6: {  	[dreg:$0x1] =	wrdreg $0xFFFFFFFF  }
0xc7: {  	_ =	task.clear_ibuf [dreg:s10], $0x2FFFF;
	_ =	strace $0x9FFFFFFF  }
0xc8: {  	(tm) =	ssettm $0x7FFFFFFF  }
0xc9: {  	_ =	shalt  }
tec
execute0_lowered:
.L_overlay_start_1:
0x0: {  	(tag) =	ssettag $0x1  }
0x1: {  	s1 =	rddreg [dreg:$0x0]  }
0x2: {  	s0 =	rddreg [dreg:$0x1]  }
0x3: {  	s5 =	rddreg [dreg:$0x2]  }
0x4: {  	s6 =	rddreg [dreg:$0x3]  }
0x5: {  	s10 =	rddreg [dreg:$0x4];
	s4 =	srdreg.scid  }
0x6: {  	s3 =	simm.s32 $0x0;
	s2 =	stileid.u32;
	s13 =	simm.s32 $0x5  }
0x7: {  	s14 =	simm.s32 $0x200;
	s15 =	simm.s32 $0x80;
	s16 =	simm.s32 $0x600  }
0x8: {  	s17 =	simm.s32 $0x400;
	s18 =	simm.s32 $0x8600;
	s19 =	simm.s32 $0x4600  }
0x9: {  	s20 =	simm.s32 $0x480;
	s21 =	simm.s32 $0xC600;
	s22 =	simm.s32 $0x1  }
0xa: {  	s23 =	simm.s32 $0x3;
	s24 =	simm.s32 $0x100;
	s25 =	simm.s32 $0x500  }
0xb: {  	s28 =	simm.s32 $0x4;
	s29 =	simm.s32 $0x180;
	s30 =	simm.s32 $0x580  }
0xc: {  	s31 =	simm.s32 $0x10600;
	s7 =	sand.u32 $0x1, s4;
	[smem:$0x7FF] =	sst s3  }
0xd: {  	s8 =	sshll.u32 s2, $0xA;
	s4 =	sadd.s32 $0x600, s0;
	s9 =	sshll.u32 s7, $0x9  }
0xe: {  	_ =	strace $0x80000047;
	s7 =	ssub.s32 $0x2, s7;
	s8 =	sor.u32 s9, s8  }
0xf: {  	v0 =	vlaneseq.u32;
	s26 =	sshrl.u32 s7, $0x1;
	s9 =	sshll.u32 s8, $0x4;
	s11 =	sshrl.u32 s8, $0x3  }
0x10: {  	v0 =	vmul.u32 $0x80, v0;
	s12 =	ssub.s32 s7, s26;
	s26 =	simm.s32 $0x2;
	s9 =	sadd.s32 s9, s0  }
0x11: {  	s5 =	sadd.s32 s5, s11;
	s0 =	sadd.s32 s11, s0;
	s10 =	sadd.s32 s10, s11  }
0x12: {  	v1 =	vor.u32 $0x800, v0;
	s12 =	smax.u32 s12, $0x1;
	[dreg:$0x6] =	wrdreg s5;
	s5 =	sadd.s32 s6, s11  }
0x13: {  	v2 =	vor.u32 $0x1000, v0;
	v3 =	vor.u32 $0x1800, v0;
	v4 =	vor.u32 $0x2000, v0;
	s6 =	sadd.s32 $0x3800, s9;
	s7 =	sadd.s32 $0x4000, s9;
	s8 =	sadd.s32 $0x4800, s9  }
0x14: {  	v5 =	vor.u32 $0x2800, v0;
	v6 =	vor.u32 $0x3000, v0;
	v7 =	vor.u32 $0x3800, v0;
	s9 =	sadd.s32 $0x5000, s9;
	s11 =	sadd.s32 $0x43800, s0;
	s0 =	simm.s32 $0x10800  }
.LBB2_1:
0x15: {  	s2 =	rddreg [dreg:$0x6]  }
0x16: {  	[tilespmem:s3], [sflag:$0x5] =	stream.linear.gather [hbm4b:s2+s3], $0x200, $0x38;
	[tilespmem:$0x10A00] =	vst v63  }
0x17: {  	_ =	swait.ge [sflag:s13], $0x200  }
0x18: {  	[sflag:s13] =	ssyncset.done $0x0  }
0x19: {  	[sflag:s13] =	ssyncadd.s32 $0xFFFFFE00  }
0x1a: {  	[tilespmem:s14], [sflag:$0x5] =	stream.linear.gather [hbm4b:s5+s3], $0x200, $0x38;
	[tilespmem:$0x10A00] =	vst v63  }
0x1b: {  	_ =	swait.ge [sflag:s13], $0x200  }
0x1c: {  	[sflag:s13] =	ssyncset.done $0x0  }
0x1d: {  	[sflag:s13] =	ssyncadd.s32 $0xFFFFFE00  }
0x1e: {  	v8 =	vld [tilespmem:$0x200]  }
0x1f: {  	v9 =	vld [tilespmem:$0x210]  }
0x20: {  	v10 =	vld [tilespmem:$0x220]  }
0x21: {  	v11 =	vld [tilespmem:$0x230]  }
0x22: {  	v12 =	vld [tilespmem:$0x240]  }
0x23: {  	v13 =	vld [tilespmem:$0x250];
	v8 =	vshrl.u32 v8, $0x7  }
0x24: {  	v58 =	vld [tilespmem:$0x260];
	[tilespmem:$0x400] =	vst v8;
	v8 =	vshrl.u32 v9, $0x7  }
0x25: {  	v59 =	vld [tilespmem:$0x270];
	[tilespmem:$0x410] =	vst v8;
	v8 =	vshrl.u32 v10, $0x7  }
0x26: {  	v60 =	vld [tilespmem:$0x280];
	[tilespmem:$0x420] =	vst v8;
	v8 =	vshrl.u32 v11, $0x7  }
0x27: {  	v61 =	vld [tilespmem:$0x290];
	[tilespmem:$0x430] =	vst v8;
	v8 =	vshrl.u32 v12, $0x7  }
0x28: {  	v62 =	vld [tilespmem:$0x2A0];
	[tilespmem:$0x440] =	vst v8;
	v8 =	vshrl.u32 v13, $0x7  }
0x29: {  	v63 =	vld [tilespmem:$0x2B0];
	[tilespmem:$0x450] =	vst v8;
	v8 =	vshrl.u32 v58, $0x7  }
0x2a: {  	v16 =	vld [tilespmem:$0x2C0];
	[tilespmem:$0x460] =	vst v8;
	v8 =	vshrl.u32 v59, $0x7  }
0x2b: {  	v17 =	vld [tilespmem:$0x2D0];
	[tilespmem:$0x470] =	vst v8;
	v8 =	vshrl.u32 v60, $0x7  }
0x2c: {  	v18 =	vld [tilespmem:$0x2E0];
	[tilespmem:$0x480] =	vst v8;
	v8 =	vshrl.u32 v61, $0x7  }
0x2d: {  	v19 =	vld [tilespmem:$0x2F0];
	[tilespmem:$0x490] =	vst v8;
	v8 =	vshrl.u32 v62, $0x7  }
0x2e: {  	v20 =	vld [tilespmem:$0x300];
	[tilespmem:$0x4A0] =	vst v8;
	v8 =	vshrl.u32 v63, $0x7  }
0x2f: {  	v21 =	vld [tilespmem:$0x310];
	[tilespmem:$0x4B0] =	vst v8;
	v8 =	vshrl.u32 v16, $0x7  }
0x30: {  	v22 =	vld [tilespmem:$0x320];
	[tilespmem:$0x4C0] =	vst v8;
	v8 =	vshrl.u32 v17, $0x7  }
0x31: {  	v23 =	vld [tilespmem:$0x330];
	[tilespmem:$0x4D0] =	vst v8;
	v8 =	vshrl.u32 v18, $0x7  }
0x32: {  	v24 =	vld [tilespmem:$0x340];
	[tilespmem:$0x4E0] =	vst v8;
	v8 =	vshrl.u32 v19, $0x7  }
0x33: {  	v25 =	vld [tilespmem:$0x350];
	[tilespmem:$0x4F0] =	vst v8;
	v8 =	vshrl.u32 v20, $0x7  }
0x34: {  	v26 =	vld [tilespmem:$0x360];
	[tilespmem:$0x500] =	vst v8;
	v8 =	vshrl.u32 v21, $0x7  }
0x35: {  	v27 =	vld [tilespmem:$0x370];
	[tilespmem:$0x510] =	vst v8;
	v8 =	vshrl.u32 v22, $0x7  }
0x36: {  	v28 =	vld [tilespmem:$0x380];
	[tilespmem:$0x520] =	vst v8;
	v8 =	vshrl.u32 v23, $0x7  }
0x37: {  	v29 =	vld [tilespmem:$0x390];
	[tilespmem:$0x530] =	vst v8;
	v8 =	vshrl.u32 v24, $0x7  }
0x38: {  	v30 =	vld [tilespmem:$0x3A0];
	[tilespmem:$0x540] =	vst v8;
	v8 =	vshrl.u32 v25, $0x7  }
0x39: {  	v31 =	vld [tilespmem:$0x3B0];
	[tilespmem:$0x550] =	vst v8;
	v8 =	vshrl.u32 v26, $0x7  }
0x3a: {  	v32 =	vld [tilespmem:$0x3C0];
	[tilespmem:$0x560] =	vst v8;
	v8 =	vshrl.u32 v27, $0x7  }
0x3b: {  	v33 =	vld [tilespmem:$0x3D0];
	[tilespmem:$0x570] =	vst v8;
	v8 =	vshrl.u32 v28, $0x7  }
0x3c: {  	v34 =	vld [tilespmem:$0x3E0];
	[tilespmem:$0x580] =	vst v8;
	v8 =	vshrl.u32 v29, $0x7  }
0x3d: {  	v35 =	vld [tilespmem:$0x3F0];
	[tilespmem:$0x590] =	vst v8;
	v8 =	vshrl.u32 v30, $0x7  }
0x3e: {  	[tilespmem:$0x5A0] =	vst v8;
	v8 =	vshrl.u32 v31, $0x7  }
0x3f: {  	[tilespmem:$0x5B0] =	vst v8;
	v8 =	vshrl.u32 v32, $0x7  }
0x40: {  	[tilespmem:$0x5C0] =	vst v8;
	v8 =	vshrl.u32 v33, $0x7  }
0x41: {  	[tilespmem:$0x5D0] =	vst v8;
	v8 =	vshrl.u32 v34, $0x7  }
0x42: {  	[tilespmem:$0x5E0] =	vst v8;
	v8 =	vshrl.u32 v35, $0x7  }
0x43: {  	[tilespmem:$0x5F0] =	vst v8  }
0x44: {  	[tilespmem:s16], [sflag:$0x1] =	stream.indirect.gather [hbm4b:s1+s15], $0x80, s3, s15, $0xb8;
	[tilespmem:$0x10A00] =	vst v63  }
0x45: {  	_ = 	snop  }
0x46: {  	[tilespmem:s18], [sflag:$0x3] =	stream.indirect.gather [hbm4b:s4+s15], $0x80, s17, s15, $0xb8;
	[tilespmem:$0x10A00] =	vst v63  }
0x47: {  	_ = 	snop  }
0x48: {  	[tilespmem:s19], [sflag:$0x2] =	stream.indirect.gather [hbm4b:s1+s15], $0x80, s15, s15, $0xb8;
	[tilespmem:$0x10A00] =	vst v63  }
0x49: {  	_ = 	snop  }
0x4a: {  	[tilespmem:s21], [sflag:$0x4] =	stream.indirect.gather [hbm4b:s4+s15], $0x80, s20, s15, $0xb8;
	[tilespmem:$0x10A00] =	vst v63  }
0x4b: {  	_ =	swait.ge [sflag:s22], $0x4000  }
0x4c: {  	[sflag:s22] =	ssyncset.done $0x0  }
0x4d: {  	[sflag:s22] =	ssyncadd.s32 $0xFFFFC000  }
0x4e: {  	[hbm4b:s6+s3] =	stream.linear.scatter [tilespmem:s16], [sflag:$0x5], $0x4000, $0x38;
	[tilespmem:$0x10A00] =	vst v63  }
0x4f: {  	_ =	swait.ge [sflag:s13], $0x4000  }
0x50: {  	[sflag:s13] =	ssyncset.done $0x0  }
0x51: {  	[sflag:s13] =	ssyncadd.s32 $0xFFFFC000  }
0x52: {  	_ =	swait.ge [sflag:s23], $0x4000  }
0x53: {  	[sflag:s23] =	ssyncset.done $0x0  }
0x54: {  	[sflag:s23] =	ssyncadd.s32 $0xFFFFC000  }
0x55: {  	v8 =	vld [tilespmem:$0x200];
	_ =	sdelay $0x4  }
0x56: {  	v8 =	vand.u32 $0x7F, v8  }
0x57: {  	v8 =	vor.u32 v0, v8;
	_ =	sdelay $0x1  }
0x58: {  	v36 =	vld [tilespmem:$0x210];
	_ =	sdelay $0x2  }
0x59: {  	v8 =	vld.idx.msk [tilespmem:v8+s18+$0x0], $0xffff;
	_ =	sdelay $0x1  }
0x5a: {  	v9 =	vand.u32 $0x7F, v36  }
0x5b: {  	v9 =	vor.u32 v1, v9;
	_ =	sdelay $0x1  }
0x5c: {  	v38 =	vld [tilespmem:$0x220];
	v37 =	vshll.u32 v8, $0x10  }
0x5d: {  	v8 =	vand.u32 $0xFFFF0000, v8;
	[tilespmem:$0x10600] =	vst v37  }
0x5e: {  	[tilespmem:$0x10800] =	vst v8  }
0x5f: {  	v8 =	vld.idx.msk [tilespmem:v9+s18+$0x0], $0xffff;
	_ =	sdelay $0x1  }
0x60: {  	v39 =	vand.u32 $0x7F, v38  }
0x61: {  	v9 =	vor.u32 v2, v39;
	_ =	sdelay $0x1  }
0x62: {  	v41 =	vld [tilespmem:$0x230];
	v40 =	vshll.u32 v8, $0x10  }
0x63: {  	v8 =	vand.u32 $0xFFFF0000, v8;
	[tilespmem:$0x10610] =	vst v40  }
0x64: {  	[tilespmem:$0x10810] =	vst v8  }
0x65: {  	v8 =	vld.idx.msk [tilespmem:v9+s18+$0x0], $0xffff;
	_ =	sdelay $0x1  }
0x66: {  	v42 =	vand.u32 $0x7F, v41  }
0x67: {  	v9 =	vor.u32 v3, v42;
	_ =	sdelay $0x1  }
0x68: {  	v44 =	vld [tilespmem:$0x240];
	v43 =	vshll.u32 v8, $0x10  }
0x69: {  	v8 =	vand.u32 $0xFFFF0000, v8;
	[tilespmem:$0x10620] =	vst v43  }
0x6a: {  	[tilespmem:$0x10820] =	vst v8  }
0x6b: {  	v8 =	vld.idx.msk [tilespmem:v9+s18+$0x0], $0xffff;
	_ =	sdelay $0x1  }
0x6c: {  	v45 =	vand.u32 $0x7F, v44  }
0x6d: {  	v9 =	vor.u32 v4, v45;
	_ =	sdelay $0x1  }
0x6e: {  	v47 =	vld [tilespmem:$0x250];
	v46 =	vshll.u32 v8, $0x10  }
0x6f: {  	v8 =	vand.u32 $0xFFFF0000, v8;
	[tilespmem:$0x10630] =	vst v46  }
0x70: {  	[tilespmem:$0x10830] =	vst v8  }
0x71: {  	v8 =	vld.idx.msk [tilespmem:v9+s18+$0x0], $0xffff;
	_ =	sdelay $0x1  }
0x72: {  	v48 =	vand.u32 $0x7F, v47  }
0x73: {  	v9 =	vor.u32 v5, v48;
	_ =	sdelay $0x1  }
0x74: {  	v50 =	vld [tilespmem:$0x260];
	v49 =	vshll.u32 v8, $0x10  }
0x75: {  	v8 =	vand.u32 $0xFFFF0000, v8;
	[tilespmem:$0x10640] =	vst v49  }
0x76: {  	[tilespmem:$0x10840] =	vst v8  }
0x77: {  	v8 =	vld.idx.msk [tilespmem:v9+s18+$0x0], $0xffff;
	_ =	sdelay $0x1  }
0x78: {  	v51 =	vand.u32 $0x7F, v50  }
0x79: {  	v9 =	vor.u32 v6, v51;
	_ =	sdelay $0x1  }
0x7a: {  	v53 =	vld [tilespmem:$0x270];
	v52 =	vshll.u32 v8, $0x10  }
0x7b: {  	v8 =	vand.u32 $0xFFFF0000, v8;
	[tilespmem:$0x10650] =	vst v52  }
0x7c: {  	[tilespmem:$0x10850] =	vst v8  }
0x7d: {  	v8 =	vld.idx.msk [tilespmem:v9+s18+$0x0], $0xffff;
	_ =	sdelay $0x1  }
0x7e: {  	v54 =	vand.u32 $0x7F, v53  }
0x7f: {  	v9 =	vor.u32 v7, v54;
	_ =	sdelay $0x1  }
0x80: {  	v55 =	vshll.u32 v8, $0x10  }
0x81: {  	v8 =	vand.u32 $0xFFFF0000, v8;
	[tilespmem:$0x10660] =	vst v55  }
0x82: {  	[tilespmem:$0x10860] =	vst v8  }
0x83: {  	v8 =	vld.idx.msk [tilespmem:v9+s18+$0x0], $0xffff;
	_ =	sdelay $0x4  }
0x84: {  	v9 =	vshll.u32 v8, $0x10  }
0x85: {  	v8 =	vand.u32 $0xFFFF0000, v8;
	[tilespmem:$0x10670] =	vst v9  }
0x86: {  	[tilespmem:$0x10870] =	vst v8  }
0x87: {  	[tilespmem:s16], [sflag:$0x1] =	stream.indirect.gather [hbm4b:s1+s15], $0x80, s24, s15, $0xb8;
	[tilespmem:$0x10A00] =	vst v63  }
0x88: {  	_ = 	snop  }
0x89: {  	[tilespmem:s18], [sflag:$0x3] =	stream.indirect.gather [hbm4b:s4+s15], $0x80, s25, s15, $0xb8;
	[tilespmem:$0x10A00] =	vst v63  }
0x8a: {  	_ =	swait.ge [sflag:s26], $0x4000  }
0x8b: {  	[sflag:s26] =	ssyncset.done $0x0  }
0x8c: {  	[sflag:s26] =	ssyncadd.s32 $0xFFFFC000  }
0x8d: {  	[hbm4b:s7+s3] =	stream.linear.scatter [tilespmem:s19], [sflag:$0x5], $0x4000, $0x38;
	[tilespmem:$0x10A00] =	vst v63  }
0x8e: {  	_ =	swait.ge [sflag:s13], $0x4000  }
0x8f: {  	[sflag:s13] =	ssyncset.done $0x0  }
0x90: {  	[sflag:s13] =	ssyncadd.s32 $0xFFFFC000  }
0x91: {  	_ =	swait.ge [sflag:s28], $0x4000  }
0x92: {  	[sflag:s28] =	ssyncset.done $0x0  }
0x93: {  	[sflag:s28] =	ssyncadd.s32 $0xFFFFC000  }
0x94: {  	v8 =	vld [tilespmem:$0x280];
	_ =	sdelay $0x4  }
0x95: {  	v8 =	vand.u32 $0x7F, v8  }
0x96: {  	v8 =	vor.u32 v0, v8;
	_ =	sdelay $0x1  }
0x97: {  	v56 =	vld [tilespmem:$0x290];
	_ =	sdelay $0x2  }
0x98: {  	v8 =	vld.idx.msk [tilespmem:v8+s21+$0x0], $0xffff;
	_ =	sdelay $0x1  }
0x99: {  	v9 =	vand.u32 $0x7F, v56  }
0x9a: {  	v9 =	vor.u32 v1, v9;
	_ =	sdelay $0x1  }
0x9b: {  	v58 =	vld [tilespmem:$0x2A0];
	v57 =	vshll.u32 v8, $0x10  }
0x9c: {  	v8 =	vand.u32 $0xFFFF0000, v8;
	[tilespmem:$0x10680] =	vst v57  }
0x9d: {  	[tilespmem:$0x10880] =	vst v8  }
0x9e: {  	v8 =	vld.idx.msk [tilespmem:v9+s21+$0x0], $0xffff;
	_ =	sdelay $0x1  }
0x9f: {  	v59 =	vand.u32 $0x7F, v58  }
0xa0: {  	v9 =	vor.u32 v2, v59;
	_ =	sdelay $0x1  }
0xa1: {  	v61 =	vld [tilespmem:$0x2B0];
	v60 =	vshll.u32 v8, $0x10  }
0xa2: {  	v8 =	vand.u32 $0xFFFF0000, v8;
	[tilespmem:$0x10690] =	vst v60  }
0xa3: {  	[tilespmem:$0x10890] =	vst v8  }
0xa4: {  	v8 =	vld.idx.msk [tilespmem:v9+s21+$0x0], $0xffff;
	_ =	sdelay $0x1  }
0xa5: {  	v62 =	vand.u32 $0x7F, v61  }
0xa6: {  	v9 =	vor.u32 v3, v62;
	_ =	sdelay $0x1  }
0xa7: {  	v12 =	vld [tilespmem:$0x2C0];
	v63 =	vshll.u32 v8, $0x10  }
0xa8: {  	v8 =	vand.u32 $0xFFFF0000, v8;
	[tilespmem:$0x106A0] =	vst v63  }
0xa9: {  	[tilespmem:$0x108A0] =	vst v8  }
0xaa: {  	v8 =	vld.idx.msk [tilespmem:v9+s21+$0x0], $0xffff;
	_ =	sdelay $0x1  }
0xab: {  	v13 =	vand.u32 $0x7F, v12  }
0xac: {  	v9 =	vor.u32 v4, v13;
	_ =	sdelay $0x1  }
0xad: {  	v15 =	vld [tilespmem:$0x2D0];
	v14 =	vshll.u32 v8, $0x10  }
0xae: {  	v8 =	vand.u32 $0xFFFF0000, v8;
	[tilespmem:$0x106B0] =	vst v14  }
0xaf: {  	[tilespmem:$0x108B0] =	vst v8  }
0xb0: {  	v8 =	vld.idx.msk [tilespmem:v9+s21+$0x0], $0xffff;
	_ =	sdelay $0x1  }
0xb1: {  	v16 =	vand.u32 $0x7F, v15  }
0xb2: {  	v9 =	vor.u32 v5, v16;
	_ =	sdelay $0x1  }
0xb3: {  	v18 =	vld [tilespmem:$0x2E0];
	v17 =	vshll.u32 v8, $0x10  }
0xb4: {  	v8 =	vand.u32 $0xFFFF0000, v8;
	[tilespmem:$0x106C0] =	vst v17  }
0xb5: {  	[tilespmem:$0x108C0] =	vst v8  }
0xb6: {  	v8 =	vld.idx.msk [tilespmem:v9+s21+$0x0], $0xffff;
	_ =	sdelay $0x1  }
0xb7: {  	v19 =	vand.u32 $0x7F, v18  }
0xb8: {  	v9 =	vor.u32 v6, v19;
	_ =	sdelay $0x1  }
0xb9: {  	v21 =	vld [tilespmem:$0x2F0];
	v20 =	vshll.u32 v8, $0x10  }
0xba: {  	v8 =	vand.u32 $0xFFFF0000, v8;
	[tilespmem:$0x106D0] =	vst v20  }
0xbb: {  	[tilespmem:$0x108D0] =	vst v8  }
0xbc: {  	v8 =	vld.idx.msk [tilespmem:v9+s21+$0x0], $0xffff;
	_ =	sdelay $0x1  }
0xbd: {  	v22 =	vand.u32 $0x7F, v21  }
0xbe: {  	v9 =	vor.u32 v7, v22;
	_ =	sdelay $0x1  }
0xbf: {  	v23 =	vshll.u32 v8, $0x10  }
0xc0: {  	v8 =	vand.u32 $0xFFFF0000, v8;
	[tilespmem:$0x106E0] =	vst v23  }
0xc1: {  	[tilespmem:$0x108E0] =	vst v8  }
0xc2: {  	v8 =	vld.idx.msk [tilespmem:v9+s21+$0x0], $0xffff;
	_ =	sdelay $0x4  }
0xc3: {  	v9 =	vshll.u32 v8, $0x10  }
0xc4: {  	v8 =	vand.u32 $0xFFFF0000, v8;
	[tilespmem:$0x106F0] =	vst v9  }
0xc5: {  	[tilespmem:$0x108F0] =	vst v8  }
0xc6: {  	[tilespmem:s19], [sflag:$0x2] =	stream.indirect.gather [hbm4b:s1+s15], $0x80, s29, s15, $0xb8;
	[tilespmem:$0x10A00] =	vst v63  }
0xc7: {  	_ = 	snop  }
0xc8: {  	[tilespmem:s21], [sflag:$0x4] =	stream.indirect.gather [hbm4b:s4+s15], $0x80, s30, s15, $0xb8;
	[tilespmem:$0x10A00] =	vst v63  }
0xc9: {  	_ =	swait.ge [sflag:s22], $0x4000  }
0xca: {  	[sflag:s22] =	ssyncset.done $0x0  }
0xcb: {  	[sflag:s22] =	ssyncadd.s32 $0xFFFFC000  }
0xcc: {  	[hbm4b:s8+s3] =	stream.linear.scatter [tilespmem:s16], [sflag:$0x5], $0x4000, $0x38;
	[tilespmem:$0x10A00] =	vst v63  }
0xcd: {  	_ =	swait.ge [sflag:s13], $0x4000  }
0xce: {  	[sflag:s13] =	ssyncset.done $0x0  }
0xcf: {  	[sflag:s13] =	ssyncadd.s32 $0xFFFFC000  }
0xd0: {  	_ =	swait.ge [sflag:s23], $0x4000  }
0xd1: {  	[sflag:s23] =	ssyncset.done $0x0  }
0xd2: {  	[sflag:s23] =	ssyncadd.s32 $0xFFFFC000  }
0xd3: {  	v8 =	vld [tilespmem:$0x300];
	_ =	sdelay $0x4  }
0xd4: {  	v8 =	vand.u32 $0x7F, v8  }
0xd5: {  	v8 =	vor.u32 v0, v8;
	_ =	sdelay $0x1  }
0xd6: {  	v24 =	vld [tilespmem:$0x310];
	_ =	sdelay $0x2  }
0xd7: {  	v8 =	vld.idx.msk [tilespmem:v8+s18+$0x0], $0xffff;
	_ =	sdelay $0x1  }
0xd8: {  	v9 =	vand.u32 $0x7F, v24  }
0xd9: {  	v9 =	vor.u32 v1, v9;
	_ =	sdelay $0x1  }
0xda: {  	v26 =	vld [tilespmem:$0x320];
	v25 =	vshll.u32 v8, $0x10  }
0xdb: {  	v8 =	vand.u32 $0xFFFF0000, v8;
	[tilespmem:$0x10700] =	vst v25  }
0xdc: {  	[tilespmem:$0x10900] =	vst v8  }
0xdd: {  	v8 =	vld.idx.msk [tilespmem:v9+s18+$0x0], $0xffff;
	_ =	sdelay $0x1  }
0xde: {  	v27 =	vand.u32 $0x7F, v26  }
0xdf: {  	v9 =	vor.u32 v2, v27;
	_ =	sdelay $0x1  }
0xe0: {  	v29 =	vld [tilespmem:$0x330];
	v28 =	vshll.u32 v8, $0x10  }
0xe1: {  	v8 =	vand.u32 $0xFFFF0000, v8;
	[tilespmem:$0x10710] =	vst v28  }
0xe2: {  	[tilespmem:$0x10910] =	vst v8  }
0xe3: {  	v8 =	vld.idx.msk [tilespmem:v9+s18+$0x0], $0xffff;
	_ =	sdelay $0x1  }
0xe4: {  	v30 =	vand.u32 $0x7F, v29  }
0xe5: {  	v9 =	vor.u32 v3, v30;
	_ =	sdelay $0x1  }
0xe6: {  	v32 =	vld [tilespmem:$0x340];
	v31 =	vshll.u32 v8, $0x10  }
0xe7: {  	v8 =	vand.u32 $0xFFFF0000, v8;
	[tilespmem:$0x10720] =	vst v31  }
0xe8: {  	[tilespmem:$0x10920] =	vst v8  }
0xe9: {  	v8 =	vld.idx.msk [tilespmem:v9+s18+$0x0], $0xffff;
	_ =	sdelay $0x1  }
0xea: {  	v33 =	vand.u32 $0x7F, v32  }
0xeb: {  	v9 =	vor.u32 v4, v33;
	_ =	sdelay $0x1  }
0xec: {  	v35 =	vld [tilespmem:$0x350];
	v34 =	vshll.u32 v8, $0x10  }
0xed: {  	v8 =	vand.u32 $0xFFFF0000, v8;
	[tilespmem:$0x10730] =	vst v34  }
0xee: {  	[tilespmem:$0x10930] =	vst v8  }
0xef: {  	v8 =	vld.idx.msk [tilespmem:v9+s18+$0x0], $0xffff;
	_ =	sdelay $0x1  }
0xf0: {  	v36 =	vand.u32 $0x7F, v35  }
0xf1: {  	v9 =	vor.u32 v5, v36;
	_ =	sdelay $0x1  }
0xf2: {  	v38 =	vld [tilespmem:$0x360];
	v37 =	vshll.u32 v8, $0x10  }
0xf3: {  	v8 =	vand.u32 $0xFFFF0000, v8;
	[tilespmem:$0x10740] =	vst v37  }
0xf4: {  	[tilespmem:$0x10940] =	vst v8  }
0xf5: {  	v8 =	vld.idx.msk [tilespmem:v9+s18+$0x0], $0xffff;
	_ =	sdelay $0x1  }
0xf6: {  	v39 =	vand.u32 $0x7F, v38  }
0xf7: {  	v9 =	vor.u32 v6, v39;
	_ =	sdelay $0x1  }
0xf8: {  	v41 =	vld [tilespmem:$0x370];
	v40 =	vshll.u32 v8, $0x10  }
0xf9: {  	v8 =	vand.u32 $0xFFFF0000, v8;
	[tilespmem:$0x10750] =	vst v40  }
0xfa: {  	[tilespmem:$0x10950] =	vst v8  }
0xfb: {  	v8 =	vld.idx.msk [tilespmem:v9+s18+$0x0], $0xffff;
	_ =	sdelay $0x1  }
0xfc: {  	v42 =	vand.u32 $0x7F, v41  }
0xfd: {  	v9 =	vor.u32 v7, v42;
	_ =	sdelay $0x1  }
0xfe: {  	v43 =	vshll.u32 v8, $0x10  }
0xff: {  	v8 =	vand.u32 $0xFFFF0000, v8;
	[tilespmem:$0x10760] =	vst v43  }
0x100: {  	[tilespmem:$0x10960] =	vst v8  }
0x101: {  	v8 =	vld.idx.msk [tilespmem:v9+s18+$0x0], $0xffff;
	_ =	sdelay $0x4  }
0x102: {  	v9 =	vshll.u32 v8, $0x10  }
0x103: {  	v8 =	vand.u32 $0xFFFF0000, v8;
	[tilespmem:$0x10770] =	vst v9  }
0x104: {  	[tilespmem:$0x10970] =	vst v8  }
0x105: {  	_ =	swait.ge [sflag:s26], $0x4000  }
0x106: {  	[sflag:s26] =	ssyncset.done $0x0  }
0x107: {  	[sflag:s26] =	ssyncadd.s32 $0xFFFFC000  }
0x108: {  	[hbm4b:s9+s3] =	stream.linear.scatter [tilespmem:s19], [sflag:$0x5], $0x4000, $0x38;
	[tilespmem:$0x10A00] =	vst v63  }
0x109: {  	_ =	swait.ge [sflag:s13], $0x4000  }
0x10a: {  	[sflag:s13] =	ssyncset.done $0x0  }
0x10b: {  	[sflag:s13] =	ssyncadd.s32 $0xFFFFC000  }
0x10c: {  	_ =	swait.ge [sflag:s28], $0x4000  }
0x10d: {  	[sflag:s28] =	ssyncset.done $0x0  }
0x10e: {  	[sflag:s28] =	ssyncadd.s32 $0xFFFFC000  }
0x10f: {  	v8 =	vld [tilespmem:$0x380];
	_ =	sdelay $0x4  }
0x110: {  	v8 =	vand.u32 $0x7F, v8  }
0x111: {  	v8 =	vor.u32 v0, v8;
	_ =	sdelay $0x1  }
0x112: {  	v44 =	vld [tilespmem:$0x390];
	_ =	sdelay $0x2  }
0x113: {  	v8 =	vld.idx.msk [tilespmem:v8+s21+$0x0], $0xffff;
	_ =	sdelay $0x1  }
0x114: {  	v9 =	vand.u32 $0x7F, v44  }
0x115: {  	v9 =	vor.u32 v1, v9;
	_ =	sdelay $0x1  }
0x116: {  	v46 =	vld [tilespmem:$0x3A0];
	v45 =	vshll.u32 v8, $0x10  }
0x117: {  	v8 =	vand.u32 $0xFFFF0000, v8;
	[tilespmem:$0x10780] =	vst v45  }
0x118: {  	[tilespmem:$0x10980] =	vst v8  }
0x119: {  	v8 =	vld.idx.msk [tilespmem:v9+s21+$0x0], $0xffff;
	_ =	sdelay $0x1  }
0x11a: {  	v47 =	vand.u32 $0x7F, v46  }
0x11b: {  	v9 =	vor.u32 v2, v47;
	_ =	sdelay $0x1  }
0x11c: {  	v49 =	vld [tilespmem:$0x3B0];
	v48 =	vshll.u32 v8, $0x10  }
0x11d: {  	v8 =	vand.u32 $0xFFFF0000, v8;
	[tilespmem:$0x10790] =	vst v48  }
0x11e: {  	[tilespmem:$0x10990] =	vst v8  }
0x11f: {  	v8 =	vld.idx.msk [tilespmem:v9+s21+$0x0], $0xffff;
	_ =	sdelay $0x1  }
0x120: {  	v50 =	vand.u32 $0x7F, v49  }
0x121: {  	v9 =	vor.u32 v3, v50;
	_ =	sdelay $0x1  }
0x122: {  	v52 =	vld [tilespmem:$0x3C0];
	v51 =	vshll.u32 v8, $0x10  }
0x123: {  	v8 =	vand.u32 $0xFFFF0000, v8;
	[tilespmem:$0x107A0] =	vst v51  }
0x124: {  	[tilespmem:$0x109A0] =	vst v8  }
0x125: {  	v8 =	vld.idx.msk [tilespmem:v9+s21+$0x0], $0xffff;
	_ =	sdelay $0x1  }
0x126: {  	v53 =	vand.u32 $0x7F, v52  }
0x127: {  	v9 =	vor.u32 v4, v53;
	_ =	sdelay $0x1  }
0x128: {  	v55 =	vld [tilespmem:$0x3D0];
	v54 =	vshll.u32 v8, $0x10  }
0x129: {  	v8 =	vand.u32 $0xFFFF0000, v8;
	[tilespmem:$0x107B0] =	vst v54  }
0x12a: {  	[tilespmem:$0x109B0] =	vst v8  }
0x12b: {  	v8 =	vld.idx.msk [tilespmem:v9+s21+$0x0], $0xffff;
	_ =	sdelay $0x1  }
0x12c: {  	v56 =	vand.u32 $0x7F, v55  }
0x12d: {  	v9 =	vor.u32 v5, v56;
	_ =	sdelay $0x1  }
0x12e: {  	v58 =	vld [tilespmem:$0x3E0];
	v57 =	vshll.u32 v8, $0x10  }
0x12f: {  	v8 =	vand.u32 $0xFFFF0000, v8;
	[tilespmem:$0x107C0] =	vst v57  }
0x130: {  	[tilespmem:$0x109C0] =	vst v8  }
0x131: {  	v8 =	vld.idx.msk [tilespmem:v9+s21+$0x0], $0xffff;
	_ =	sdelay $0x1  }
0x132: {  	v59 =	vand.u32 $0x7F, v58  }
0x133: {  	v9 =	vor.u32 v6, v59;
	_ =	sdelay $0x1  }
0x134: {  	v61 =	vld [tilespmem:$0x3F0];
	v60 =	vshll.u32 v8, $0x10  }
0x135: {  	v8 =	vand.u32 $0xFFFF0000, v8;
	[tilespmem:$0x107D0] =	vst v60  }
0x136: {  	[tilespmem:$0x109D0] =	vst v8  }
0x137: {  	v8 =	vld.idx.msk [tilespmem:v9+s21+$0x0], $0xffff;
	_ =	sdelay $0x1  }
0x138: {  	v62 =	vand.u32 $0x7F, v61  }
0x139: {  	v9 =	vor.u32 v7, v62;
	_ =	sdelay $0x1  }
0x13a: {  	v63 =	vshll.u32 v8, $0x10  }
0x13b: {  	v8 =	vand.u32 $0xFFFF0000, v8;
	[tilespmem:$0x107E0] =	vst v63  }
0x13c: {  	[tilespmem:$0x109E0] =	vst v8  }
0x13d: {  	v8 =	vld.idx.msk [tilespmem:v9+s21+$0x0], $0xffff;
	_ =	sdelay $0x4  }
0x13e: {  	v9 =	vshll.u32 v8, $0x10  }
0x13f: {  	v8 =	vand.u32 $0xFFFF0000, v8;
	[tilespmem:$0x107F0] =	vst v9  }
0x140: {  	[tilespmem:$0x109F0] =	vst v8  }
0x141: {  	[hbm4b:s10+s3] =	stream.linear.scatter [tilespmem:s31], [sflag:$0x5], $0x200, $0x38;
	[tilespmem:$0x10A00] =	vst v63  }
0x142: {  	_ =	swait.ge [sflag:s13], $0x200  }
0x143: {  	p0 =	sne.s32 s12, $0x1;
	[sflag:s13] =	ssyncset.done $0x0  }
.Ltmp0:
0x144: {  	[sflag:s13] =	ssyncadd.s32 $0xFFFFFE00;
	(pc) =	sbr.rel @p0 .LBB2_1-.Ltmp0, $4  }
0x145: {  	[hbm4b:s11+s3] =	stream.linear.scatter [tilespmem:s0], [sflag:$0x5], $0x200, $0x38;
	[tilespmem:$0x10A00] =	vst v63  }
0x146: {  	_ =	swait.ge [sflag:s13], $0x200  }
0x147: {  	[sflag:s13] =	ssyncset.done $0x0  }
0x148: {  	s12 =	sadd.s32 $0xFFFFFFFF, s12;
	[sflag:s13] =	ssyncadd.s32 $0xFFFFFE00  }
0x149: {  	_ =	sfence.sel $0x180000  }
0x14a: {  	[bflag:$0x0] =	sbarrier.arrive $0xFFFF  }
0x14b: {  	_ =	strace $0x90000047  }
0x14c: {  	s0 =	stileid.u32;
	[bflag:$0x2] =	sbarrier.arrive $0xFFFF  }
0x14d: {  	p0 =	sne.s32 s0, $0x0;
	s0 =	rddreg [dreg:$0x5]  }
0x14e: {  	s0 =	sadd.s32 @!p0 $0x100000, s0  }
0x14f: {  	[sflag:s0] =	ssyncadd.tile.s32 @!p0 $0x1;
	_ =	shalt  }
.Lfunc_end2:
_tile_overlayer_lowered:
.L_overlay_start_2:
0x150: {  	(tag) =	ssettag $0x2  }
0x151: {  	s0 =	rddreg [dreg:$0x0];
	s2 =	stileid.u32  }
0x152: {  	s1 =	rddreg [dreg:$0x1];
	p0 =	sne.s32 s2, $0x0  }
0x153: {  	s3 =	rddreg [dreg:$0x2];
	[bflag:$0x3] =	sbarrier.arrive $0xFFFF;
	s2 =	simm.s32 @!p0 $0x1C05  }
0x154: {  	[timem:s3], [sflag:s2] =	dma.local @!p0 [hbm:s0], s1  }
0x155: {  	s0 =	simm.s32 @!p0 $0x5  }
0x156: {  	_ =	swait.ge @!p0 [sflag:s0], s1  }
0x157: {  	s1 =	ssub.s32 @!p0 $0x0, s1;
	[sflag:s0] =	ssyncset.done @!p0 $0x0  }
0x158: {  	[sflag:s0] =	ssyncadd.s32 @!p0 s1  }
0x159: {  	[bflag:$0x3] =	sbarrier.arrive $0xFFFF  }
0x15a: {  	_ =	shalt  }

</sc_bundles>
